<compile_context>
chip_gen: v7x
topology: tpu7x:2x2x1
jax: 0.10.2.dev20260603
libtpu: 0.0.44.dev20260713+nightly
codegen_flags: <defaults>
</compile_context>

<pallas_src>
import functools

import jax
import jax.numpy as jnp
from jax import lax
from jax.experimental import pallas as pl
from jax.experimental.pallas import tpu as pltpu
from jax.experimental.pallas import tpu_sc as plsc

_TOPK = 2
_BM = 128
_RB = 1024
_NC = 2
_NS = 16
_NW = _NC * _NS


def _top2(l, e):
    rb = l.shape[0]
    lane = jax.lax.broadcasted_iota(jnp.int32, (rb, e), 1)
    m1 = jnp.max(l, axis=1, keepdims=True)
    a1 = jnp.min(jnp.where(l == m1, lane, e), axis=1, keepdims=True)
    l2 = jnp.where(lane == a1, -jnp.inf, l)
    m2 = jnp.max(l2, axis=1, keepdims=True)
    a2 = jnp.min(jnp.where(l2 == m2, lane, e), axis=1, keepdims=True)
    return a1, m1, a2, m2


def _pack_pair(lo_bf, hi_bf):
    lo = jax.lax.bitcast_convert_type(lo_bf, jnp.uint16).astype(jnp.uint32)
    hi = jax.lax.bitcast_convert_type(hi_bf, jnp.uint16).astype(jnp.uint32)
    return jax.lax.bitcast_convert_type(lo | (hi << 16), jnp.int32)


def _unpack_pair(w_i32):
    w = jax.lax.bitcast_convert_type(w_i32, jnp.uint32)
    lo = jax.lax.bitcast_convert_type((w & 0xFFFF).astype(jnp.uint16),
                                      jnp.bfloat16)
    hi = jax.lax.bitcast_convert_type((w >> 16).astype(jnp.uint16),
                                      jnp.bfloat16)
    return jnp.concatenate([lo, hi], axis=1)


def _make_routing_body(e, nblk_max):
    def body(x_ref, wg_ref, l_ref, p0_ref, p1_ref, w1_ref, w2_ref, be_ref,
             nb_ref, c0r_ref, c1r_ref, c0f_ref, base_ref, lsc_ref):
        ph = pl.program_id(0)
        i = pl.program_id(1)
        rb = x_ref.shape[0]

        @pl.when(ph == 0)
        def _():
            lsc_ref[pl.ds(i * rb, rb), :] = jnp.dot(
                x_ref[...], wg_ref[...], preferred_element_type=jnp.float32)

        l = lsc_ref[pl.ds(i * rb, rb), :]
        l_ref[...] = l
        a1, m1, a2, m2 = _top2(l, e)
        lane = jax.lax.broadcasted_iota(jnp.int32, (_RB, e), 1)
        oh1 = (lane == a1)
        oh2 = (lane == a2)
        s1 = jnp.sum(oh1.astype(jnp.float32), axis=0, keepdims=True)
        s2 = jnp.sum(oh2.astype(jnp.float32), axis=0, keepdims=True)

        @pl.when((ph == 0) & (i == 0))
        def _():
            c0r_ref[...] = jnp.zeros_like(c0r_ref)
            c1r_ref[...] = jnp.zeros_like(c1r_ref)

        @pl.when(ph == 0)
        def _():
            c0r_ref[...] += s1
            c1r_ref[...] += s2

        @pl.when((ph == 1) & (i == 0))
        def _():
            c0 = c0r_ref[...]
            counts = c0 + c1r_ref[...]
            c0f_ref[...] = c0
            tril_e = (jax.lax.broadcasted_iota(jnp.int32, (e, e), 0)
                      <= jax.lax.broadcasted_iota(jnp.int32, (e, e), 1)
                      ).astype(jnp.float32)
            nblk = jnp.ceil(counts / _BM)
            cnb = jnp.dot(nblk, tril_e, preferred_element_type=jnp.float32)
            base_ref[...] = (cnb - nblk) * _BM
            nb_total = cnb[0, e - 1]
            nb_ref[0] = nb_total.astype(jnp.int32)
            cnb_b = jnp.broadcast_to(cnb, (nblk_max, e))
            jrow = jax.lax.broadcasted_iota(
                jnp.int32, (nblk_max, e), 0).astype(jnp.float32)
            be = jnp.sum((cnb_b <= jrow).astype(jnp.int32), axis=1)
            be_last = jnp.sum((cnb_b <= (nb_total - 1.0)).astype(jnp.int32),
                              axis=1)
            be_ref[...] = jnp.minimum(be, be_last)
            c0r_ref[...] = jnp.zeros_like(c0r_ref)
            c1r_ref[...] = jnp.zeros_like(c1r_ref)

        @pl.when(ph == 1)
        def _():
            tril = (jax.lax.broadcasted_iota(jnp.int32, (_RB, _RB), 0)
                    >= jax.lax.broadcasted_iota(jnp.int32, (_RB, _RB), 1)
                    ).astype(jnp.bfloat16)
            cum1 = jnp.dot(tril, oh1.astype(jnp.bfloat16),
                           preferred_element_type=jnp.float32) + c0r_ref[...]
            cum2 = jnp.dot(tril, oh2.astype(jnp.bfloat16),
                           preferred_element_type=jnp.float32) + c1r_ref[...]
            base = base_ref[...]
            c0f = c0f_ref[...]
            p0 = jnp.sum(jnp.where(oh1, base + cum1 - 1.0, 0.0), axis=1)
            p1 = jnp.sum(jnp.where(oh2, base + c0f + cum2 - 1.0, 0.0), axis=1)
            p0_ref[...] = p0.astype(jnp.int32)
            p1_ref[...] = p1.astype(jnp.int32)
            w1v = jax.nn.sigmoid(m1 - m2)[:, 0]
            w1_ref[...] = w1v
            w2_ref[...] = 1.0 - w1v
            c0r_ref[...] += s1
            c1r_ref[...] += s2

    return body


def _ffn_body(be_ref, nb_ref, x_ref, wg_ref, wu_ref, wd_ref, y_ref):
    del be_ref

    @pl.when(pl.program_id(0) < nb_ref[0])
    def _():
        x = _unpack_pair(x_ref[...])
        g = jnp.dot(x, wg_ref[0].astype(jnp.bfloat16),
                    preferred_element_type=jnp.float32)
        u = jnp.dot(x, wu_ref[0].astype(jnp.bfloat16),
                    preferred_element_type=jnp.float32)
        h = (g * jax.nn.sigmoid(g)) * u
        y = jnp.dot(h.astype(jnp.bfloat16), wd_ref[0].astype(jnp.bfloat16),
                    preferred_element_type=jnp.float32)
        dh = y.shape[1] // 2
        y_ref[...] = _pack_pair(y[:, :dh].astype(jnp.bfloat16),
                                y[:, dh:].astype(jnp.bfloat16))


def _combine_body(y0_ref, y1_ref, w0_ref, w1_ref, out_ref):
    y0 = _unpack_pair(y0_ref[...]).astype(jnp.float32)
    y1 = _unpack_pair(y1_ref[...]).astype(jnp.float32)
    out_ref[...] = w0_ref[...] * y0 + w1_ref[...] * y1


def kernel(hidden_states, Wg, W_gate, W_up, W_down):
    b, s, d = hidden_states.shape
    e, _, dff = W_gate.shape
    t = b * s
    x = hidden_states.reshape(t, d)

    nblk_max = t * _TOPK // _BM + e
    rpad = nblk_max * _BM
    dp = d // 2

    (router_logits, p0, p1, w1, w2, block_expert, nb_total) = pl.pallas_call(
        _make_routing_body(e, nblk_max),
        grid=(2, t // _RB),
        in_specs=[
            pl.BlockSpec((_RB, d), lambda ph, i: ((1 - ph) * i, 0)),
            pl.BlockSpec((d, e), lambda ph, i: (0, 0)),
        ],
        out_specs=[
            pl.BlockSpec((_RB, e), lambda ph, i: (i, 0)),
            pl.BlockSpec((_RB,), lambda ph, i: (i,)),
            pl.BlockSpec((_RB,), lambda ph, i: (i,)),
            pl.BlockSpec((_RB,), lambda ph, i: (i,)),
            pl.BlockSpec((_RB,), lambda ph, i: (i,)),
            pl.BlockSpec((nblk_max,), lambda ph, i: (0,)),
            pl.BlockSpec(memory_space=pltpu.SMEM),
        ],
        out_shape=[
            jax.ShapeDtypeStruct((t, e), jnp.float32),
            jax.ShapeDtypeStruct((t,), jnp.int32),
            jax.ShapeDtypeStruct((t,), jnp.int32),
            jax.ShapeDtypeStruct((t,), jnp.float32),
            jax.ShapeDtypeStruct((t,), jnp.float32),
            jax.ShapeDtypeStruct((nblk_max,), jnp.int32),
            jax.ShapeDtypeStruct((1,), jnp.int32),
        ],
        scratch_shapes=[
            pltpu.VMEM((1, e), jnp.float32),
            pltpu.VMEM((1, e), jnp.float32),
            pltpu.VMEM((1, e), jnp.float32),
            pltpu.VMEM((1, e), jnp.float32),
            pltpu.VMEM((t, e), jnp.float32),
        ],
    )(x, Wg)

    t_per_w = t // _NW
    mesh = plsc.VectorSubcoreMesh(core_axis_name="c", subcore_axis_name="s")

    @functools.partial(
        pl.kernel, mesh=mesh,
        out_type=jax.ShapeDtypeStruct((rpad, dp), jnp.int32),
        scratch_types=[
            pltpu.VMEM((t_per_w,), jnp.int32),
            pltpu.VMEM((t_per_w, dp), jnp.int32),
            pltpu.SemaphoreType.DMA,
        ],
    )
    def _dispatch(x_hbm, p0_hbm, p1_hbm, xd_hbm, slot_v, rows_v, sem):
        wid = lax.axis_index("s") * _NC + lax.axis_index("c")
        off = wid * t_per_w
        pltpu.sync_copy(x_hbm.at[pl.ds(off, t_per_w)], rows_v)
        pltpu.sync_copy(p0_hbm.at[pl.ds(off, t_per_w)], slot_v)
        pltpu.async_copy(rows_v, xd_hbm.at[slot_v], sem).wait()
        pltpu.sync_copy(p1_hbm.at[pl.ds(off, t_per_w)], slot_v)
        pltpu.async_copy(rows_v, xd_hbm.at[slot_v], sem).wait()

    xb = x.astype(jnp.bfloat16)
    x_packed = _pack_pair(xb[:, :dp], xb[:, dp:])
    x_disp = _dispatch(x_packed, p0, p1)

    grid_spec = pltpu.PrefetchScalarGridSpec(
        num_scalar_prefetch=2,
        grid=(nblk_max,),
        in_specs=[
            pl.BlockSpec((_BM, dp), lambda i, be, nb: (jnp.minimum(i, nb[0]), 0)),
            pl.BlockSpec((1, d, dff), lambda i, be, nb: (be[i], 0, 0)),
            pl.BlockSpec((1, d, dff), lambda i, be, nb: (be[i], 0, 0)),
            pl.BlockSpec((1, dff, d), lambda i, be, nb: (be[i], 0, 0)),
        ],
        out_specs=pl.BlockSpec((_BM, dp), lambda i, be, nb: (jnp.minimum(i, nb[0]), 0)),
    )
    y = pl.pallas_call(
        _ffn_body,
        grid_spec=grid_spec,
        out_shape=jax.ShapeDtypeStruct((rpad, dp), jnp.int32),
    )(block_expert, nb_total, x_disp, W_gate, W_up, W_down)

    g_per_w = t // _NW

    @functools.partial(
        pl.kernel, mesh=mesh,
        out_type=[jax.ShapeDtypeStruct((t, dp), jnp.int32),
                  jax.ShapeDtypeStruct((t, dp), jnp.int32)],
        scratch_types=[
            pltpu.VMEM((g_per_w,), jnp.int32),
            pltpu.VMEM((g_per_w, dp), jnp.int32),
            pltpu.SemaphoreType.DMA,
        ],
    )
    def _cgather(y_hbm, p0_hbm, p1_hbm, y0_hbm, y1_hbm, idx_v, rows_v, sem):
        wid = lax.axis_index("s") * _NC + lax.axis_index("c")
        off = wid * g_per_w
        pltpu.sync_copy(p0_hbm.at[pl.ds(off, g_per_w)], idx_v)
        pltpu.async_copy(y_hbm.at[idx_v], rows_v, sem).wait()
        pltpu.sync_copy(rows_v, y0_hbm.at[pl.ds(off, g_per_w)])
        pltpu.sync_copy(p1_hbm.at[pl.ds(off, g_per_w)], idx_v)
        pltpu.async_copy(y_hbm.at[idx_v], rows_v, sem).wait()
        pltpu.sync_copy(rows_v, y1_hbm.at[pl.ds(off, g_per_w)])

    yg0, yg1 = _cgather(y, p0, p1)

    out = pl.pallas_call(
        _combine_body,
        grid=(t // _RB,),
        in_specs=[
            pl.BlockSpec((_RB, dp), lambda i: (i, 0)),
            pl.BlockSpec((_RB, dp), lambda i: (i, 0)),
            pl.BlockSpec((_RB, 1), lambda i: (i, 0)),
            pl.BlockSpec((_RB, 1), lambda i: (i, 0)),
        ],
        out_specs=pl.BlockSpec((_RB, d), lambda i: (i, 0)),
        out_shape=jax.ShapeDtypeStruct((t, d), jnp.float32),
    )(yg0, yg1, w1.reshape(t, 1), w2.reshape(t, 1))

    return out.reshape(b, s, d), router_logits

# --- scband reference (transcript-rebuilt; emitter-appended) ---
"""Pipeline reference for scband-qwen3-moe-opt-sparse-moe-block-76287209111680 (READ-ONLY COPY).

The authoritative reference and input builder live on the scoring server;
editing this copy changes nothing except your own understanding.
"""

import jax, jax.numpy as jnp
import numpy as np

B, S, D = 1, 2048, 768
E, TOPK, DFF = 64, 2, 256

def setup_inputs(seed: int = 0) -> dict:
    key = jax.random.key(seed)
    k1, k2, k3, k4, k5 = jax.random.split(key, 5)
    hidden_states = jax.random.normal(k1, (B, S, D), dtype=jnp.float32)
    Wg = jax.random.normal(k2, (D, E), dtype=jnp.float32) * 0.02
    W_gate = jax.random.normal(k3, (E, D, DFF), dtype=jnp.float32) * 0.02
    W_up = jax.random.normal(k4, (E, D, DFF), dtype=jnp.float32) * 0.02
    W_down = jax.random.normal(k5, (E, DFF, D), dtype=jnp.float32) * 0.02
    return {"hidden_states": hidden_states, "Wg": Wg, "W_gate": W_gate, "W_up": W_up, "W_down": W_down}

def reference(hidden_states, Wg, W_gate, W_up, W_down):
    b, s, d = hidden_states.shape
    x = hidden_states.reshape(-1, d)
    router_logits = x @ Wg  # [T, E]
    routing_weights = jax.nn.softmax(router_logits.astype(jnp.float32), axis=-1)
    topw, sel = jax.lax.top_k(routing_weights, TOPK)  # [T, K]
    # norm_topk_prob = True
    topw = topw / jnp.sum(topw, axis=-1, keepdims=True)
    topw = topw.astype(x.dtype)
    # per-token combine weight for each expert (equivalent to sort+index_add dispatch/combine)
    onehot = jax.nn.one_hot(sel, E, dtype=x.dtype)  # [T, K, E]
    comb = jnp.einsum('tk,tke->te', topw, onehot)  # [T, E]
    out = jnp.zeros_like(x)
    for e in range(E):
        h = jax.nn.silu(x @ W_gate[e]) * (x @ W_up[e])
        y = h @ W_down[e]
        out = out + comb[:, e:e + 1] * y
    final_hidden_states = out.reshape(b, s, d)
    return final_hidden_states, router_logits

if __name__ == "__main__":
    import jax
    _d = setup_inputs()
    print(jax.jit(kernel)(*tuple(_d.values())))

</pallas_src>

<mosaic_0001>
#map = affine_map<(d0, d1) -> (0, 0)>
#map1 = affine_map<(d0, d1) -> (0)>
module attributes {stable_mosaic.version = 14 : i64} {
  func.func @_dispatch(%arg0: i32, %arg1: i32, %arg2: memref<2048x384xi32, #tpu.memory_space<hbm>>, %arg3: memref<2048xi32, #tpu.memory_space<hbm>>, %arg4: memref<2048xi32, #tpu.memory_space<hbm>>, %arg5: memref<12288x384xi32, #tpu.memory_space<hbm>>, %arg6: memref<64xi32, #tpu.memory_space<vmem>>, %arg7: memref<64x384xi32, #tpu.memory_space<vmem>>, %arg8: memref<!tpu.dma_semaphore, #tpu.memory_space<semaphore_mem>>) attributes {dimension_semantics = [#tpu.dimension_semantics<core_parallel>, #tpu.dimension_semantics<subcore_parallel>], iteration_bounds = array<i64: 2, 16>, scalar_prefetch = 0 : i64, scratch_operands = 3 : i64, tpu.core_type = #tpu.core_type<sc_vector_subcore>, window_params = [{transform_indices = #map}, {transform_indices = #map1}, {transform_indices = #map1}, {transform_indices = #map}]} {
    %mul3A = arith.constant 2 : i32
    %mul3A_0 = arith.muli %arg1, %mul3A : i32
    %add3A = arith.addi %mul3A_0, %arg0 : i32
    %mul3A_1 = arith.constant 64 : i32
    %mul3A_2 = arith.muli %add3A, %mul3A_1 : i32
    "tpu.region"() ({
      %run_scoped3A = tpu.sem_alloc : memref<!tpu.dma_semaphore, #tpu.memory_space<semaphore_mem>>
      %dma_start3A_13 = arith.constant 0 : i32
      %dma_start3A_14 = tpu.memref_slice %arg2[%mul3A_2, %dma_start3A_13] : memref<2048x384xi32, #tpu.memory_space<hbm>> -> memref<64x384xi32, #tpu.memory_space<hbm>>
      %dma_start3A_15 = arith.constant 0 : i32
      %dma_start3A_16 = tpu.memref_slice %arg2[%mul3A_2, %dma_start3A_15] : memref<2048x384xi32, #tpu.memory_space<hbm>> -> memref<64x384xi32, #tpu.memory_space<hbm>>
      tpu.enqueue_dma source(%dma_start3A_16 : memref<64x384xi32, #tpu.memory_space<hbm>>) target(%arg7 : memref<64x384xi32, #tpu.memory_space<vmem>>) target_semaphore(%run_scoped3A : memref<!tpu.dma_semaphore, #tpu.memory_space<semaphore_mem>>)
      %dma_wait3A_17 = arith.constant 0 : i32
      %dma_wait3A_18 = tpu.memref_slice %arg2[%mul3A_2, %dma_wait3A_17] : memref<2048x384xi32, #tpu.memory_space<hbm>> -> memref<64x384xi32, #tpu.memory_space<hbm>>
      %dma_wait3A_19 = arith.constant 0 : i32
      %dma_wait3A_20 = tpu.memref_slice %arg2[%mul3A_2, %dma_wait3A_19] : memref<2048x384xi32, #tpu.memory_space<hbm>> -> memref<64x384xi32, #tpu.memory_space<hbm>>
      tpu.wait_dma2 semaphore(%run_scoped3A : memref<!tpu.dma_semaphore, #tpu.memory_space<semaphore_mem>>) src(%dma_wait3A_20 : memref<64x384xi32, #tpu.memory_space<hbm>>) dst(%arg7 : memref<64x384xi32, #tpu.memory_space<vmem>>)
      tpu.yield
    }) : () -> ()
    "tpu.region"() ({
      %run_scoped3A = tpu.sem_alloc : memref<!tpu.dma_semaphore, #tpu.memory_space<semaphore_mem>>
      %dma_start3A_13 = tpu.memref_slice %arg3[%mul3A_2] : memref<2048xi32, #tpu.memory_space<hbm>> -> memref<64xi32, #tpu.memory_space<hbm>>
      %dma_start3A_14 = tpu.memref_slice %arg3[%mul3A_2] : memref<2048xi32, #tpu.memory_space<hbm>> -> memref<64xi32, #tpu.memory_space<hbm>>
      tpu.enqueue_dma source(%dma_start3A_14 : memref<64xi32, #tpu.memory_space<hbm>>) target(%arg6 : memref<64xi32, #tpu.memory_space<vmem>>) target_semaphore(%run_scoped3A : memref<!tpu.dma_semaphore, #tpu.memory_space<semaphore_mem>>)
      %dma_wait3A_15 = tpu.memref_slice %arg3[%mul3A_2] : memref<2048xi32, #tpu.memory_space<hbm>> -> memref<64xi32, #tpu.memory_space<hbm>>
      %dma_wait3A_16 = tpu.memref_slice %arg3[%mul3A_2] : memref<2048xi32, #tpu.memory_space<hbm>> -> memref<64xi32, #tpu.memory_space<hbm>>
      tpu.wait_dma2 semaphore(%run_scoped3A : memref<!tpu.dma_semaphore, #tpu.memory_space<semaphore_mem>>) src(%dma_wait3A_16 : memref<64xi32, #tpu.memory_space<hbm>>) dst(%arg6 : memref<64xi32, #tpu.memory_space<vmem>>)
      tpu.yield
    }) : () -> ()
    %dma_start3A = arith.constant 0 : i32
    %dma_start3A_3 = arith.constant 0 : i32
    %dma_start3A_4 = tpu.memref_slice %arg5[%dma_start3A, %dma_start3A_3] : memref<12288x384xi32, #tpu.memory_space<hbm>> -> memref<12288x384xi32, #tpu.memory_space<hbm>>
    tpu.enqueue_indirect_dma source(%arg7 : memref<64x384xi32, #tpu.memory_space<vmem>>) target(%dma_start3A_4 : memref<12288x384xi32, #tpu.memory_space<hbm>>) offsets(%arg6 : memref<64xi32, #tpu.memory_space<vmem>>) semaphore(%arg8 : memref<!tpu.dma_semaphore, #tpu.memory_space<semaphore_mem>>)
    %dma_wait3A = arith.constant 0 : i32
    %dma_wait3A_5 = arith.constant 0 : i32
    %dma_wait3A_6 = tpu.memref_slice %arg5[%dma_wait3A, %dma_wait3A_5] : memref<12288x384xi32, #tpu.memory_space<hbm>> -> memref<12288x384xi32, #tpu.memory_space<hbm>>
    tpu.wait_indirect_dma semaphore(%arg8 : memref<!tpu.dma_semaphore, #tpu.memory_space<semaphore_mem>>) src(%arg7 : memref<64x384xi32, #tpu.memory_space<vmem>>) dst(%dma_wait3A_6 : memref<12288x384xi32, #tpu.memory_space<hbm>>)
    "tpu.region"() ({
      %run_scoped3A = tpu.sem_alloc : memref<!tpu.dma_semaphore, #tpu.memory_space<semaphore_mem>>
      %dma_start3A_13 = tpu.memref_slice %arg4[%mul3A_2] : memref<2048xi32, #tpu.memory_space<hbm>> -> memref<64xi32, #tpu.memory_space<hbm>>
      %dma_start3A_14 = tpu.memref_slice %arg4[%mul3A_2] : memref<2048xi32, #tpu.memory_space<hbm>> -> memref<64xi32, #tpu.memory_space<hbm>>
      tpu.enqueue_dma source(%dma_start3A_14 : memref<64xi32, #tpu.memory_space<hbm>>) target(%arg6 : memref<64xi32, #tpu.memory_space<vmem>>) target_semaphore(%run_scoped3A : memref<!tpu.dma_semaphore, #tpu.memory_space<semaphore_mem>>)
      %dma_wait3A_15 = tpu.memref_slice %arg4[%mul3A_2] : memref<2048xi32, #tpu.memory_space<hbm>> -> memref<64xi32, #tpu.memory_space<hbm>>
      %dma_wait3A_16 = tpu.memref_slice %arg4[%mul3A_2] : memref<2048xi32, #tpu.memory_space<hbm>> -> memref<64xi32, #tpu.memory_space<hbm>>
      tpu.wait_dma2 semaphore(%run_scoped3A : memref<!tpu.dma_semaphore, #tpu.memory_space<semaphore_mem>>) src(%dma_wait3A_16 : memref<64xi32, #tpu.memory_space<hbm>>) dst(%arg6 : memref<64xi32, #tpu.memory_space<vmem>>)
      tpu.yield
    }) : () -> ()
    %dma_start3A_7 = arith.constant 0 : i32
    %dma_start3A_8 = arith.constant 0 : i32
    %dma_start3A_9 = tpu.memref_slice %arg5[%dma_start3A_7, %dma_start3A_8] : memref<12288x384xi32, #tpu.memory_space<hbm>> -> memref<12288x384xi32, #tpu.memory_space<hbm>>
    tpu.enqueue_indirect_dma source(%arg7 : memref<64x384xi32, #tpu.memory_space<vmem>>) target(%dma_start3A_9 : memref<12288x384xi32, #tpu.memory_space<hbm>>) offsets(%arg6 : memref<64xi32, #tpu.memory_space<vmem>>) semaphore(%arg8 : memref<!tpu.dma_semaphore, #tpu.memory_space<semaphore_mem>>)
    %dma_wait3A_10 = arith.constant 0 : i32
    %dma_wait3A_11 = arith.constant 0 : i32
    %dma_wait3A_12 = tpu.memref_slice %arg5[%dma_wait3A_10, %dma_wait3A_11] : memref<12288x384xi32, #tpu.memory_space<hbm>> -> memref<12288x384xi32, #tpu.memory_space<hbm>>
    tpu.wait_indirect_dma semaphore(%arg8 : memref<!tpu.dma_semaphore, #tpu.memory_space<semaphore_mem>>) src(%arg7 : memref<64x384xi32, #tpu.memory_space<vmem>>) dst(%dma_wait3A_12 : memref<12288x384xi32, #tpu.memory_space<hbm>>)
    return
  }
}

#map = affine_map<(d0, d1) -> (0, 0)>
#map1 = affine_map<(d0, d1) -> (0)>
module attributes {stable_mosaic.version = 14 : i64} {
  func.func @_cgather(%arg0: i32, %arg1: i32, %arg2: memref<12288x384xi32, #tpu.memory_space<hbm>>, %arg3: memref<2048xi32, #tpu.memory_space<hbm>>, %arg4: memref<2048xi32, #tpu.memory_space<hbm>>, %arg5: memref<2048x384xi32, #tpu.memory_space<hbm>>, %arg6: memref<2048x384xi32, #tpu.memory_space<hbm>>, %arg7: memref<64xi32, #tpu.memory_space<vmem>>, %arg8: memref<64x384xi32, #tpu.memory_space<vmem>>, %arg9: memref<!tpu.dma_semaphore, #tpu.memory_space<semaphore_mem>>) attributes {dimension_semantics = [#tpu.dimension_semantics<core_parallel>, #tpu.dimension_semantics<subcore_parallel>], iteration_bounds = array<i64: 2, 16>, scalar_prefetch = 0 : i64, scratch_operands = 3 : i64, tpu.core_type = #tpu.core_type<sc_vector_subcore>, window_params = [{transform_indices = #map}, {transform_indices = #map1}, {transform_indices = #map1}, {transform_indices = #map}, {transform_indices = #map}]} {
    %mul3A = arith.constant 2 : i32
    %mul3A_0 = arith.muli %arg1, %mul3A : i32
    %add3A = arith.addi %mul3A_0, %arg0 : i32
    %mul3A_1 = arith.constant 64 : i32
    %mul3A_2 = arith.muli %add3A, %mul3A_1 : i32
    "tpu.region"() ({
      %run_scoped3A = tpu.sem_alloc : memref<!tpu.dma_semaphore, #tpu.memory_space<semaphore_mem>>
      %dma_start3A_13 = tpu.memref_slice %arg3[%mul3A_2] : memref<2048xi32, #tpu.memory_space<hbm>> -> memref<64xi32, #tpu.memory_space<hbm>>
      %dma_start3A_14 = tpu.memref_slice %arg3[%mul3A_2] : memref<2048xi32, #tpu.memory_space<hbm>> -> memref<64xi32, #tpu.memory_space<hbm>>
      tpu.enqueue_dma source(%dma_start3A_14 : memref<64xi32, #tpu.memory_space<hbm>>) target(%arg7 : memref<64xi32, #tpu.memory_space<vmem>>) target_semaphore(%run_scoped3A : memref<!tpu.dma_semaphore, #tpu.memory_space<semaphore_mem>>)
      %dma_wait3A_15 = tpu.memref_slice %arg3[%mul3A_2] : memref<2048xi32, #tpu.memory_space<hbm>> -> memref<64xi32, #tpu.memory_space<hbm>>
      %dma_wait3A_16 = tpu.memref_slice %arg3[%mul3A_2] : memref<2048xi32, #tpu.memory_space<hbm>> -> memref<64xi32, #tpu.memory_space<hbm>>
      tpu.wait_dma2 semaphore(%run_scoped3A : memref<!tpu.dma_semaphore, #tpu.memory_space<semaphore_mem>>) src(%dma_wait3A_16 : memref<64xi32, #tpu.memory_space<hbm>>) dst(%arg7 : memref<64xi32, #tpu.memory_space<vmem>>)
      tpu.yield
    }) : () -> ()
    %dma_start3A = arith.constant 0 : i32
    %dma_start3A_3 = arith.constant 0 : i32
    %dma_start3A_4 = tpu.memref_slice %arg2[%dma_start3A, %dma_start3A_3] : memref<12288x384xi32, #tpu.memory_space<hbm>> -> memref<12288x384xi32, #tpu.memory_space<hbm>>
    tpu.enqueue_indirect_dma source(%dma_start3A_4 : memref<12288x384xi32, #tpu.memory_space<hbm>>) target(%arg8 : memref<64x384xi32, #tpu.memory_space<vmem>>) offsets(%arg7 : memref<64xi32, #tpu.memory_space<vmem>>) semaphore(%arg9 : memref<!tpu.dma_semaphore, #tpu.memory_space<semaphore_mem>>)
    %dma_wait3A = arith.constant 0 : i32
    %dma_wait3A_5 = arith.constant 0 : i32
    %dma_wait3A_6 = tpu.memref_slice %arg2[%dma_wait3A, %dma_wait3A_5] : memref<12288x384xi32, #tpu.memory_space<hbm>> -> memref<12288x384xi32, #tpu.memory_space<hbm>>
    tpu.wait_indirect_dma semaphore(%arg9 : memref<!tpu.dma_semaphore, #tpu.memory_space<semaphore_mem>>) src(%dma_wait3A_6 : memref<12288x384xi32, #tpu.memory_space<hbm>>) dst(%arg8 : memref<64x384xi32, #tpu.memory_space<vmem>>)
    "tpu.region"() ({
      %run_scoped3A = tpu.sem_alloc : memref<!tpu.dma_semaphore, #tpu.memory_space<semaphore_mem>>
      %dma_start3A_13 = arith.constant 0 : i32
      %dma_start3A_14 = tpu.memref_slice %arg5[%mul3A_2, %dma_start3A_13] : memref<2048x384xi32, #tpu.memory_space<hbm>> -> memref<64x384xi32, #tpu.memory_space<hbm>>
      %dma_start3A_15 = arith.constant 0 : i32
      %dma_start3A_16 = tpu.memref_slice %arg5[%mul3A_2, %dma_start3A_15] : memref<2048x384xi32, #tpu.memory_space<hbm>> -> memref<64x384xi32, #tpu.memory_space<hbm>>
      tpu.enqueue_dma source(%arg8 : memref<64x384xi32, #tpu.memory_space<vmem>>) target(%dma_start3A_16 : memref<64x384xi32, #tpu.memory_space<hbm>>) target_semaphore(%run_scoped3A : memref<!tpu.dma_semaphore, #tpu.memory_space<semaphore_mem>>)
      %dma_wait3A_17 = arith.constant 0 : i32
      %dma_wait3A_18 = tpu.memref_slice %arg5[%mul3A_2, %dma_wait3A_17] : memref<2048x384xi32, #tpu.memory_space<hbm>> -> memref<64x384xi32, #tpu.memory_space<hbm>>
      %dma_wait3A_19 = arith.constant 0 : i32
      %dma_wait3A_20 = tpu.memref_slice %arg5[%mul3A_2, %dma_wait3A_19] : memref<2048x384xi32, #tpu.memory_space<hbm>> -> memref<64x384xi32, #tpu.memory_space<hbm>>
      tpu.wait_dma2 semaphore(%run_scoped3A : memref<!tpu.dma_semaphore, #tpu.memory_space<semaphore_mem>>) src(%arg8 : memref<64x384xi32, #tpu.memory_space<vmem>>) dst(%dma_wait3A_20 : memref<64x384xi32, #tpu.memory_space<hbm>>)
      tpu.yield
    }) : () -> ()
    "tpu.region"() ({
      %run_scoped3A = tpu.sem_alloc : memref<!tpu.dma_semaphore, #tpu.memory_space<semaphore_mem>>
      %dma_start3A_13 = tpu.memref_slice %arg4[%mul3A_2] : memref<2048xi32, #tpu.memory_space<hbm>> -> memref<64xi32, #tpu.memory_space<hbm>>
      %dma_start3A_14 = tpu.memref_slice %arg4[%mul3A_2] : memref<2048xi32, #tpu.memory_space<hbm>> -> memref<64xi32, #tpu.memory_space<hbm>>
      tpu.enqueue_dma source(%dma_start3A_14 : memref<64xi32, #tpu.memory_space<hbm>>) target(%arg7 : memref<64xi32, #tpu.memory_space<vmem>>) target_semaphore(%run_scoped3A : memref<!tpu.dma_semaphore, #tpu.memory_space<semaphore_mem>>)
      %dma_wait3A_15 = tpu.memref_slice %arg4[%mul3A_2] : memref<2048xi32, #tpu.memory_space<hbm>> -> memref<64xi32, #tpu.memory_space<hbm>>
      %dma_wait3A_16 = tpu.memref_slice %arg4[%mul3A_2] : memref<2048xi32, #tpu.memory_space<hbm>> -> memref<64xi32, #tpu.memory_space<hbm>>
      tpu.wait_dma2 semaphore(%run_scoped3A : memref<!tpu.dma_semaphore, #tpu.memory_space<semaphore_mem>>) src(%dma_wait3A_16 : memref<64xi32, #tpu.memory_space<hbm>>) dst(%arg7 : memref<64xi32, #tpu.memory_space<vmem>>)
      tpu.yield
    }) : () -> ()
    %dma_start3A_7 = arith.constant 0 : i32
    %dma_start3A_8 = arith.constant 0 : i32
    %dma_start3A_9 = tpu.memref_slice %arg2[%dma_start3A_7, %dma_start3A_8] : memref<12288x384xi32, #tpu.memory_space<hbm>> -> memref<12288x384xi32, #tpu.memory_space<hbm>>
    tpu.enqueue_indirect_dma source(%dma_start3A_9 : memref<12288x384xi32, #tpu.memory_space<hbm>>) target(%arg8 : memref<64x384xi32, #tpu.memory_space<vmem>>) offsets(%arg7 : memref<64xi32, #tpu.memory_space<vmem>>) semaphore(%arg9 : memref<!tpu.dma_semaphore, #tpu.memory_space<semaphore_mem>>)
    %dma_wait3A_10 = arith.constant 0 : i32
    %dma_wait3A_11 = arith.constant 0 : i32
    %dma_wait3A_12 = tpu.memref_slice %arg2[%dma_wait3A_10, %dma_wait3A_11] : memref<12288x384xi32, #tpu.memory_space<hbm>> -> memref<12288x384xi32, #tpu.memory_space<hbm>>
    tpu.wait_indirect_dma semaphore(%arg9 : memref<!tpu.dma_semaphore, #tpu.memory_space<semaphore_mem>>) src(%dma_wait3A_12 : memref<12288x384xi32, #tpu.memory_space<hbm>>) dst(%arg8 : memref<64x384xi32, #tpu.memory_space<vmem>>)
    "tpu.region"() ({
      %run_scoped3A = tpu.sem_alloc : memref<!tpu.dma_semaphore, #tpu.memory_space<semaphore_mem>>
      %dma_start3A_13 = arith.constant 0 : i32
      %dma_start3A_14 = tpu.memref_slice %arg6[%mul3A_2, %dma_start3A_13] : memref<2048x384xi32, #tpu.memory_space<hbm>> -> memref<64x384xi32, #tpu.memory_space<hbm>>
      %dma_start3A_15 = arith.constant 0 : i32
      %dma_start3A_16 = tpu.memref_slice %arg6[%mul3A_2, %dma_start3A_15] : memref<2048x384xi32, #tpu.memory_space<hbm>> -> memref<64x384xi32, #tpu.memory_space<hbm>>
      tpu.enqueue_dma source(%arg8 : memref<64x384xi32, #tpu.memory_space<vmem>>) target(%dma_start3A_16 : memref<64x384xi32, #tpu.memory_space<hbm>>) target_semaphore(%run_scoped3A : memref<!tpu.dma_semaphore, #tpu.memory_space<semaphore_mem>>)
      %dma_wait3A_17 = arith.constant 0 : i32
      %dma_wait3A_18 = tpu.memref_slice %arg6[%mul3A_2, %dma_wait3A_17] : memref<2048x384xi32, #tpu.memory_space<hbm>> -> memref<64x384xi32, #tpu.memory_space<hbm>>
      %dma_wait3A_19 = arith.constant 0 : i32
      %dma_wait3A_20 = tpu.memref_slice %arg6[%mul3A_2, %dma_wait3A_19] : memref<2048x384xi32, #tpu.memory_space<hbm>> -> memref<64x384xi32, #tpu.memory_space<hbm>>
      tpu.wait_dma2 semaphore(%run_scoped3A : memref<!tpu.dma_semaphore, #tpu.memory_space<semaphore_mem>>) src(%arg8 : memref<64x384xi32, #tpu.memory_space<vmem>>) dst(%dma_wait3A_20 : memref<64x384xi32, #tpu.memory_space<hbm>>)
      tpu.yield
    }) : () -> ()
    return
  }
}

module attributes {stable_mosaic.version = 14 : i64} {
  func.func @body(%arg0: i32, %arg1: i32, %arg2: memref<1024x768xf32, #tpu.memory_space<vmem>>, %arg3: memref<768x64xf32, #tpu.memory_space<vmem>>, %arg4: memref<1024x64xf32, #tpu.memory_space<vmem>>, %arg5: memref<1024xi32, #tpu.memory_space<vmem>>, %arg6: memref<1024xi32, #tpu.memory_space<vmem>>, %arg7: memref<1024xf32, #tpu.memory_space<vmem>>, %arg8: memref<1024xf32, #tpu.memory_space<vmem>>, %arg9: memref<96xi32, #tpu.memory_space<vmem>>, %arg10: memref<1xi32, #tpu.memory_space<smem>>, %arg11: memref<1x64xf32, #tpu.memory_space<vmem>>, %arg12: memref<1x64xf32, #tpu.memory_space<vmem>>, %arg13: memref<1x64xf32, #tpu.memory_space<vmem>>, %arg14: memref<1x64xf32, #tpu.memory_space<vmem>>, %arg15: memref<2048x64xf32, #tpu.memory_space<vmem>>) attributes {dimension_semantics = [#tpu.dimension_semantics<arbitrary>, #tpu.dimension_semantics<arbitrary>], iteration_bounds = array<i64: 2, 2>, scalar_prefetch = 0 : i64, scratch_operands = 5 : i64, tpu.core_type = #tpu.core_type<tc>, window_params = [{transform_indices = @transform_0, window_bounds = array<i64: 1024, 768>}, {pipeline_mode = #tpu.pipeline_mode<synchronous>, transform_indices = @transform_1, window_bounds = array<i64: 768, 64>}, {transform_indices = @transform_2, window_bounds = array<i64: 1024, 64>}, {transform_indices = @transform_3, window_bounds = array<i64: 1024>}, {transform_indices = @transform_4, window_bounds = array<i64: 1024>}, {transform_indices = @transform_5, window_bounds = array<i64: 1024>}, {transform_indices = @transform_6, window_bounds = array<i64: 1024>}, {pipeline_mode = #tpu.pipeline_mode<synchronous>, transform_indices = @transform_7, window_bounds = array<i64: 96>}, {transform_indices = @transform_8, window_bounds = array<i64: 1>}]} {
    %eq3A = arith.constant 0 : i32
    %eq3A_0 = arith.cmpi eq, %arg0, %eq3A : i32
    %convert_element_type3A = arith.extui %eq3A_0 : i1 to i32
    %cond3A = arith.constant 0 : i32
    %cond3A_1 = arith.cmpi ne, %convert_element_type3A, %cond3A : i32
    scf.if %cond3A_1 {
      %get3A_68 = arith.constant 0 : index
      %get3A_69 = arith.constant 0 : index
      %get3A_70 = vector.load %arg2[%get3A_68, %get3A_69] : memref<1024x768xf32, #tpu.memory_space<vmem>>, vector<1024x768xf32>
      %get3A_71 = arith.constant 0 : index
      %get3A_72 = arith.constant 0 : index
      %get3A_73 = vector.load %arg3[%get3A_71, %get3A_72] : memref<768x64xf32, #tpu.memory_space<vmem>>, vector<768x64xf32>
      %dot_general3A = arith.constant dense<0.000000e+00> : vector<1024x64xf32>
      %dot_general3A_74 = tpu.matmul %get3A_70, %get3A_73, %dot_general3A {dimension_numbers = #tpu.dot_dimension_numbers<[1], [0], [0], [1], [0, 0, 1, 1], [], []>, transpose_lhs_hint = false} : vector<1024x768xf32>, vector<768x64xf32>, vector<1024x64xf32> -> vector<1024x64xf32>
      %mul3A_75 = arith.constant 1024 : i32
      %mul3A_76 = arith.muli %arg1, %mul3A_75 : i32
      %swap3A_77 = arith.index_cast %mul3A_76 : i32 to index
      %swap3A_78 = arith.constant 0 : index
      %swap3A_79 = vector.load %arg15[%swap3A_77, %swap3A_78] : memref<2048x64xf32, #tpu.memory_space<vmem>>, vector<1024x64xf32>
      tpu.vector_store %arg15[%swap3A_77, %swap3A_78], %dot_general3A_74 {strides = array<i32>} : memref<2048x64xf32, #tpu.memory_space<vmem>>, vector<1024x64xf32>,
    } else {
    }
    %mul3A = arith.constant 1024 : i32
    %mul3A_2 = arith.muli %arg1, %mul3A : i32
    %get3A = arith.index_cast %mul3A_2 : i32 to index
    %get3A_3 = arith.constant 0 : index
    %get3A_4 = vector.load %arg15[%get3A, %get3A_3] : memref<2048x64xf32, #tpu.memory_space<vmem>>, vector<1024x64xf32>
    %swap3A = arith.constant 0 : index
    %swap3A_5 = arith.constant 0 : index
    %swap3A_6 = vector.load %arg4[%swap3A, %swap3A_5] : memref<1024x64xf32, #tpu.memory_space<vmem>>, vector<1024x64xf32>
    tpu.vector_store %arg4[%swap3A, %swap3A_5], %get3A_4 {strides = array<i32>} : memref<1024x64xf32, #tpu.memory_space<vmem>>, vector<1024x64xf32>,
    %iota3A = tpu.iota {dimensions = array<i32: 1>} : vector<1024x64xi32>
    %reduce_max3A = arith.constant dense<0xFF800000> : vector<1024xf32>
    %reduce_max3A_7 = vector.multi_reduction <maximumf>, %get3A_4, %reduce_max3A [1] : vector<1024x64xf32> to vector<1024xf32>
    %broadcast_in_dim3A = vector.shape_cast %reduce_max3A_7 : vector<1024xf32> to vector<1024x1xf32>
    %eq3A_8 = vector.broadcast %broadcast_in_dim3A : vector<1024x1xf32> to vector<1024x64xf32>
    %eq3A_9 = arith.cmpf oeq, %get3A_4, %eq3A_8 : vector<1024x64xf32>
    %jit3A = arith.constant 64 : i32
    %broadcast_in_dim3A_10 = vector.broadcast %jit3A : i32 to vector<1024x64xi32>
    %select_n3A = arith.select %eq3A_9, %iota3A, %broadcast_in_dim3A_10 : vector<1024x64xi1>, vector<1024x64xi32>
    %reduce_min3A = arith.constant dense<2147483647> : vector<1024xi32>
    %reduce_min3A_11 = vector.multi_reduction <minsi>, %select_n3A, %reduce_min3A [1] : vector<1024x64xi32> to vector<1024xi32>
    %broadcast_in_dim3A_12 = vector.shape_cast %reduce_min3A_11 : vector<1024xi32> to vector<1024x1xi32>
    %eq3A_13 = vector.broadcast %broadcast_in_dim3A_12 : vector<1024x1xi32> to vector<1024x64xi32>
    %eq3A_14 = arith.cmpi eq, %iota3A, %eq3A_13 : vector<1024x64xi32>
    %jit3A_15 = arith.constant 0xFF800000 : f32
    %broadcast_in_dim3A_16 = vector.broadcast %jit3A_15 : f32 to vector<1024x64xf32>
    %select_n3A_17 = arith.select %eq3A_14, %broadcast_in_dim3A_16, %get3A_4 : vector<1024x64xi1>, vector<1024x64xf32>
    %reduce_max3A_18 = arith.constant dense<0xFF800000> : vector<1024xf32>
    %reduce_max3A_19 = vector.multi_reduction <maximumf>, %select_n3A_17, %reduce_max3A_18 [1] : vector<1024x64xf32> to vector<1024xf32>
    %broadcast_in_dim3A_20 = vector.shape_cast %reduce_max3A_19 : vector<1024xf32> to vector<1024x1xf32>
    %eq3A_21 = vector.broadcast %broadcast_in_dim3A_20 : vector<1024x1xf32> to vector<1024x64xf32>
    %eq3A_22 = arith.cmpf oeq, %select_n3A_17, %eq3A_21 : vector<1024x64xf32>
    %jit3A_23 = arith.constant 64 : i32
    %broadcast_in_dim3A_24 = vector.broadcast %jit3A_23 : i32 to vector<1024x64xi32>
    %select_n3A_25 = arith.select %eq3A_22, %iota3A, %broadcast_in_dim3A_24 : vector<1024x64xi1>, vector<1024x64xi32>
    %reduce_min3A_26 = arith.constant dense<2147483647> : vector<1024xi32>
    %reduce_min3A_27 = vector.multi_reduction <minsi>, %select_n3A_25, %reduce_min3A_26 [1] : vector<1024x64xi32> to vector<1024xi32>
    %broadcast_in_dim3A_28 = vector.shape_cast %reduce_min3A_27 : vector<1024xi32> to vector<1024x1xi32>
    %iota3A_29 = tpu.iota {dimensions = array<i32: 1>} : vector<1024x64xi32>
    %eq3A_30 = vector.broadcast %broadcast_in_dim3A_12 : vector<1024x1xi32> to vector<1024x64xi32>
    %eq3A_31 = arith.cmpi eq, %iota3A_29, %eq3A_30 : vector<1024x64xi32>
    %eq3A_32 = vector.broadcast %broadcast_in_dim3A_28 : vector<1024x1xi32> to vector<1024x64xi32>
    %eq3A_33 = arith.cmpi eq, %iota3A_29, %eq3A_32 : vector<1024x64xi32>
    %convert_element_type3A_34 = arith.extui %eq3A_31 : vector<1024x64xi1> to vector<1024x64xi32>
    %convert_element_type3A_35 = arith.sitofp %convert_element_type3A_34 : vector<1024x64xi32> to vector<1024x64xf32>
    %reduce_sum3A = arith.constant dense<0.000000e+00> : vector<64xf32>
    %reduce_sum3A_36 = vector.multi_reduction <add>, %convert_element_type3A_35, %reduce_sum3A [0] : vector<1024x64xf32> to vector<64xf32>
    %broadcast_in_dim3A_37 = vector.shape_cast %reduce_sum3A_36 : vector<64xf32> to vector<1x64xf32>
    %convert_element_type3A_38 = arith.extui %eq3A_33 : vector<1024x64xi1> to vector<1024x64xi32>
    %convert_element_type3A_39 = arith.sitofp %convert_element_type3A_38 : vector<1024x64xi32> to vector<1024x64xf32>
    %reduce_sum3A_40 = arith.constant dense<0.000000e+00> : vector<64xf32>
    %reduce_sum3A_41 = vector.multi_reduction <add>, %convert_element_type3A_39, %reduce_sum3A_40 [0] : vector<1024x64xf32> to vector<64xf32>
    %broadcast_in_dim3A_42 = vector.shape_cast %reduce_sum3A_41 : vector<64xf32> to vector<1x64xf32>
    %eq3A_43 = arith.constant 0 : i32
    %eq3A_44 = arith.cmpi eq, %arg0, %eq3A_43 : i32
    %eq3A_45 = arith.constant 0 : i32
    %eq3A_46 = arith.cmpi eq, %arg1, %eq3A_45 : i32
    %and3A = arith.andi %eq3A_44, %eq3A_46 : i1
    %convert_element_type3A_47 = arith.extui %and3A : i1 to i32
    %cond3A_48 = arith.constant 0 : i32
    %cond3A_49 = arith.cmpi ne, %convert_element_type3A_47, %cond3A_48 : i32
    scf.if %cond3A_49 {
      %broadcast_in_dim3A_68 = arith.constant 0.000000e+00 : f32
      %broadcast_in_dim3A_69 = vector.broadcast %broadcast_in_dim3A_68 : f32 to vector<1x64xf32>
      %swap3A_70 = arith.constant 0 : index
      %swap3A_71 = arith.constant 0 : index
      %swap3A_72 = vector.load %arg11[%swap3A_70, %swap3A_71] : memref<1x64xf32, #tpu.memory_space<vmem>>, vector<1x64xf32>
      tpu.vector_store %arg11[%swap3A_70, %swap3A_71], %broadcast_in_dim3A_69 {strides = array<i32>} : memref<1x64xf32, #tpu.memory_space<vmem>>, vector<1x64xf32>,
      %broadcast_in_dim3A_73 = arith.constant 0.000000e+00 : f32
      %broadcast_in_dim3A_74 = vector.broadcast %broadcast_in_dim3A_73 : f32 to vector<1x64xf32>
      %swap3A_75 = arith.constant 0 : index
      %swap3A_76 = arith.constant 0 : index
      %swap3A_77 = vector.load %arg12[%swap3A_75, %swap3A_76] : memref<1x64xf32, #tpu.memory_space<vmem>>, vector<1x64xf32>
      tpu.vector_store %arg12[%swap3A_75, %swap3A_76], %broadcast_in_dim3A_74 {strides = array<i32>} : memref<1x64xf32, #tpu.memory_space<vmem>>, vector<1x64xf32>,
    } else {
    }
    %eq3A_50 = arith.constant 0 : i32
    %eq3A_51 = arith.cmpi eq, %arg0, %eq3A_50 : i32
    %convert_element_type3A_52 = arith.extui %eq3A_51 : i1 to i32
    %cond3A_53 = arith.constant 0 : i32
    %cond3A_54 = arith.cmpi ne, %convert_element_type3A_52, %cond3A_53 : i32
    scf.if %cond3A_54 {
      %get3A_68 = arith.constant 0 : index
      %get3A_69 = arith.constant 0 : index
      %get3A_70 = vector.load %arg11[%get3A_68, %get3A_69] : memref<1x64xf32, #tpu.memory_space<vmem>>, vector<1x64xf32>
      %add3A = arith.addf %get3A_70, %broadcast_in_dim3A_37 : vector<1x64xf32>
      %swap3A_71 = arith.constant 0 : index
      %swap3A_72 = arith.constant 0 : index
      %swap3A_73 = vector.load %arg11[%swap3A_71, %swap3A_72] : memref<1x64xf32, #tpu.memory_space<vmem>>, vector<1x64xf32>
      tpu.vector_store %arg11[%swap3A_71, %swap3A_72], %add3A {strides = array<i32>} : memref<1x64xf32, #tpu.memory_space<vmem>>, vector<1x64xf32>,
      %get3A_74 = arith.constant 0 : index
      %get3A_75 = arith.constant 0 : index
      %get3A_76 = vector.load %arg12[%get3A_74, %get3A_75] : memref<1x64xf32, #tpu.memory_space<vmem>>, vector<1x64xf32>
      %add3A_77 = arith.addf %get3A_76, %broadcast_in_dim3A_42 : vector<1x64xf32>
      %swap3A_78 = arith.constant 0 : index
      %swap3A_79 = arith.constant 0 : index
      %swap3A_80 = vector.load %arg12[%swap3A_78, %swap3A_79] : memref<1x64xf32, #tpu.memory_space<vmem>>, vector<1x64xf32>
      tpu.vector_store %arg12[%swap3A_78, %swap3A_79], %add3A_77 {strides = array<i32>} : memref<1x64xf32, #tpu.memory_space<vmem>>, vector<1x64xf32>,
    } else {
    }
    %eq3A_55 = arith.constant 1 : i32
    %eq3A_56 = arith.cmpi eq, %arg0, %eq3A_55 : i32
    %eq3A_57 = arith.constant 0 : i32
    %eq3A_58 = arith.cmpi eq, %arg1, %eq3A_57 : i32
    %and3A_59 = arith.andi %eq3A_56, %eq3A_58 : i1
    %convert_element_type3A_60 = arith.extui %and3A_59 : i1 to i32
    %cond3A_61 = arith.constant 0 : i32
    %cond3A_62 = arith.cmpi ne, %convert_element_type3A_60, %cond3A_61 : i32
    scf.if %cond3A_62 {
      %get3A_68 = arith.constant 0 : index
      %get3A_69 = arith.constant 0 : index
      %get3A_70 = vector.load %arg11[%get3A_68, %get3A_69] : memref<1x64xf32, #tpu.memory_space<vmem>>, vector<1x64xf32>
      %get3A_71 = arith.constant 0 : index
      %get3A_72 = arith.constant 0 : index
      %get3A_73 = vector.load %arg12[%get3A_71, %get3A_72] : memref<1x64xf32, #tpu.memory_space<vmem>>, vector<1x64xf32>
      %add3A = arith.addf %get3A_70, %get3A_73 : vector<1x64xf32>
      %swap3A_74 = arith.constant 0 : index
      %swap3A_75 = arith.constant 0 : index
      %swap3A_76 = vector.load %arg13[%swap3A_74, %swap3A_75] : memref<1x64xf32, #tpu.memory_space<vmem>>, vector<1x64xf32>
      tpu.vector_store %arg13[%swap3A_74, %swap3A_75], %get3A_70 {strides = array<i32>} : memref<1x64xf32, #tpu.memory_space<vmem>>, vector<1x64xf32>,
      %iota3A_77 = tpu.iota {dimensions = array<i32: 0>} : vector<64x64xi32>
      %iota3A_78 = tpu.iota {dimensions = array<i32: 1>} : vector<64x64xi32>
      %le3A = arith.cmpi sle, %iota3A_77, %iota3A_78 : vector<64x64xi32>
      %convert_element_type3A_79 = arith.extui %le3A : vector<64x64xi1> to vector<64x64xi32>
      %convert_element_type3A_80 = arith.sitofp %convert_element_type3A_79 : vector<64x64xi32> to vector<64x64xf32>
      %div3A = arith.constant 1.280000e+02 : f32
      %div3A_81 = vector.broadcast %div3A : f32 to vector<1x64xf32>
      %div3A_82 = arith.divf %add3A, %div3A_81 : vector<1x64xf32>
      %ceil3A = math.ceil %div3A_82 : vector<1x64xf32>
      %dot_general3A = arith.constant dense<0.000000e+00> : vector<1x64xf32>
      %dot_general3A_83 = tpu.matmul %ceil3A, %convert_element_type3A_80, %dot_general3A {dimension_numbers = #tpu.dot_dimension_numbers<[1], [0], [0], [1], [0, 0, 1, 1], [], []>, transpose_lhs_hint = false} : vector<1x64xf32>, vector<64x64xf32>, vector<1x64xf32> -> vector<1x64xf32>
      %sub3A = arith.subf %dot_general3A_83, %ceil3A : vector<1x64xf32>
      %mul3A_84 = arith.constant 1.280000e+02 : f32
      %mul3A_85 = vector.broadcast %mul3A_84 : f32 to vector<1x64xf32>
      %mul3A_86 = arith.mulf %sub3A, %mul3A_85 : vector<1x64xf32>
      %swap3A_87 = arith.constant 0 : index
      %swap3A_88 = arith.constant 0 : index
      %swap3A_89 = vector.load %arg14[%swap3A_87, %swap3A_88] : memref<1x64xf32, #tpu.memory_space<vmem>>, vector<1x64xf32>
      tpu.vector_store %arg14[%swap3A_87, %swap3A_88], %mul3A_86 {strides = array<i32>} : memref<1x64xf32, #tpu.memory_space<vmem>>, vector<1x64xf32>,
      %slice3A = vector.extract_strided_slice %dot_general3A_83 {offsets = [0, 63], sizes = [1, 1], strides = [1, 1]} : vector<1x64xf32> to vector<1x1xf32>
      %squeeze3A = vector.extract %slice3A[0, 0] : f32 from vector<1x1xf32>
      %convert_element_type3A_90 = arith.fptosi %squeeze3A : f32 to i32
      %swap3A_91 = arith.constant 0 : index
      %swap3A_92 = memref.load %arg10[%swap3A_91] : memref<1xi32, #tpu.memory_space<smem>>
      memref.store %convert_element_type3A_90, %arg10[%swap3A_91] : memref<1xi32, #tpu.memory_space<smem>>
      %broadcast_in_dim3A_93 = vector.shape_cast %dot_general3A_83 : vector<1x64xf32> to vector<1x64xf32>
      %broadcast_in_dim3A_94 = vector.broadcast %broadcast_in_dim3A_93 : vector<1x64xf32> to vector<96x64xf32>
      %iota3A_95 = tpu.iota {dimensions = array<i32: 0>} : vector<96x64xi32>
      %convert_element_type3A_96 = arith.sitofp %iota3A_95 : vector<96x64xi32> to vector<96x64xf32>
      %le3A_97 = arith.cmpf ole, %broadcast_in_dim3A_94, %convert_element_type3A_96 : vector<96x64xf32>
      %convert_element_type3A_98 = arith.extui %le3A_97 : vector<96x64xi1> to vector<96x64xi32>
      %reduce_sum3A_99 = arith.constant dense<0> : vector<96xi32>
      %reduce_sum3A_100 = vector.multi_reduction <add>, %convert_element_type3A_98, %reduce_sum3A_99 [1] : vector<96x64xi32> to vector<96xi32>
      %sub3A_101 = arith.constant 1.000000e+00 : f32
      %sub3A_102 = arith.subf %squeeze3A, %sub3A_101 : f32
      %le3A_103 = vector.broadcast %sub3A_102 : f32 to vector<96x64xf32>
      %le3A_104 = arith.cmpf ole, %broadcast_in_dim3A_94, %le3A_103 : vector<96x64xf32>
      %convert_element_type3A_105 = arith.extui %le3A_104 : vector<96x64xi1> to vector<96x64xi32>
      %reduce_sum3A_106 = arith.constant dense<0> : vector<96xi32>
      %reduce_sum3A_107 = vector.multi_reduction <add>, %convert_element_type3A_105, %reduce_sum3A_106 [1] : vector<96x64xi32> to vector<96xi32>
      %min3A = arith.minsi %reduce_sum3A_100, %reduce_sum3A_107 : vector<96xi32>
      %swap3A_108 = arith.constant 0 : index
      %swap3A_109 = vector.load %arg9[%swap3A_108] : memref<96xi32, #tpu.memory_space<vmem>>, vector<96xi32>
      tpu.vector_store %arg9[%swap3A_108], %min3A {strides = array<i32>} : memref<96xi32, #tpu.memory_space<vmem>>, vector<96xi32>,
      %broadcast_in_dim3A_110 = arith.constant 0.000000e+00 : f32
      %broadcast_in_dim3A_111 = vector.broadcast %broadcast_in_dim3A_110 : f32 to vector<1x64xf32>
      %swap3A_112 = arith.constant 0 : index
      %swap3A_113 = arith.constant 0 : index
      %swap3A_114 = vector.load %arg11[%swap3A_112, %swap3A_113] : memref<1x64xf32, #tpu.memory_space<vmem>>, vector<1x64xf32>
      tpu.vector_store %arg11[%swap3A_112, %swap3A_113], %broadcast_in_dim3A_111 {strides = array<i32>} : memref<1x64xf32, #tpu.memory_space<vmem>>, vector<1x64xf32>,
      %broadcast_in_dim3A_115 = arith.constant 0.000000e+00 : f32
      %broadcast_in_dim3A_116 = vector.broadcast %broadcast_in_dim3A_115 : f32 to vector<1x64xf32>
      %swap3A_117 = arith.constant 0 : index
      %swap3A_118 = arith.constant 0 : index
      %swap3A_119 = vector.load %arg12[%swap3A_117, %swap3A_118] : memref<1x64xf32, #tpu.memory_space<vmem>>, vector<1x64xf32>
      tpu.vector_store %arg12[%swap3A_117, %swap3A_118], %broadcast_in_dim3A_116 {strides = array<i32>} : memref<1x64xf32, #tpu.memory_space<vmem>>, vector<1x64xf32>,
    } else {
    }
    %eq3A_63 = arith.constant 1 : i32
    %eq3A_64 = arith.cmpi eq, %arg0, %eq3A_63 : i32
    %convert_element_type3A_65 = arith.extui %eq3A_64 : i1 to i32
    %cond3A_66 = arith.constant 0 : i32
    %cond3A_67 = arith.cmpi ne, %convert_element_type3A_65, %cond3A_66 : i32
    scf.if %cond3A_67 {
      %iota3A_68 = tpu.iota {dimensions = array<i32: 0>} : vector<1024x1024xi32>
      %iota3A_69 = tpu.iota {dimensions = array<i32: 1>} : vector<1024x1024xi32>
      %ge3A = arith.cmpi sge, %iota3A_68, %iota3A_69 : vector<1024x1024xi32>
      %convert_element_type3A_70 = arith.extui %ge3A : vector<1024x1024xi1> to vector<1024x1024xi32>
      %convert_element_type3A_71 = arith.sitofp %convert_element_type3A_70 : vector<1024x1024xi32> to vector<1024x1024xf32>
      %convert_element_type3A_72 = arith.truncf %convert_element_type3A_71 : vector<1024x1024xf32> to vector<1024x1024xbf16>
      %convert_element_type3A_73 = arith.extui %eq3A_31 : vector<1024x64xi1> to vector<1024x64xi32>
      %convert_element_type3A_74 = arith.sitofp %convert_element_type3A_73 : vector<1024x64xi32> to vector<1024x64xf32>
      %convert_element_type3A_75 = arith.truncf %convert_element_type3A_74 : vector<1024x64xf32> to vector<1024x64xbf16>
      %dot_general3A = arith.constant dense<0.000000e+00> : vector<1024x64xf32>
      %dot_general3A_76 = tpu.matmul %convert_element_type3A_72, %convert_element_type3A_75, %dot_general3A {dimension_numbers = #tpu.dot_dimension_numbers<[1], [0], [0], [1], [0, 0, 1, 1], [], []>, transpose_lhs_hint = false} : vector<1024x1024xbf16>, vector<1024x64xbf16>, vector<1024x64xf32> -> vector<1024x64xf32>
      %get3A_77 = arith.constant 0 : index
      %get3A_78 = arith.constant 0 : index
      %get3A_79 = vector.load %arg11[%get3A_77, %get3A_78] : memref<1x64xf32, #tpu.memory_space<vmem>>, vector<1x64xf32>
      %add3A = vector.broadcast %get3A_79 : vector<1x64xf32> to vector<1024x64xf32>
      %add3A_80 = arith.addf %dot_general3A_76, %add3A : vector<1024x64xf32>
      %convert_element_type3A_81 = arith.extui %eq3A_33 : vector<1024x64xi1> to vector<1024x64xi32>
      %convert_element_type3A_82 = arith.sitofp %convert_element_type3A_81 : vector<1024x64xi32> to vector<1024x64xf32>
      %convert_element_type3A_83 = arith.truncf %convert_element_type3A_82 : vector<1024x64xf32> to vector<1024x64xbf16>
      %dot_general3A_84 = arith.constant dense<0.000000e+00> : vector<1024x64xf32>
      %dot_general3A_85 = tpu.matmul %convert_element_type3A_72, %convert_element_type3A_83, %dot_general3A_84 {dimension_numbers = #tpu.dot_dimension_numbers<[1], [0], [0], [1], [0, 0, 1, 1], [], []>, transpose_lhs_hint = false} : vector<1024x1024xbf16>, vector<1024x64xbf16>, vector<1024x64xf32> -> vector<1024x64xf32>
      %get3A_86 = arith.constant 0 : index
      %get3A_87 = arith.constant 0 : index
      %get3A_88 = vector.load %arg12[%get3A_86, %get3A_87] : memref<1x64xf32, #tpu.memory_space<vmem>>, vector<1x64xf32>
      %add3A_89 = vector.broadcast %get3A_88 : vector<1x64xf32> to vector<1024x64xf32>
      %add3A_90 = arith.addf %dot_general3A_85, %add3A_89 : vector<1024x64xf32>
      %get3A_91 = arith.constant 0 : index
      %get3A_92 = arith.constant 0 : index
      %get3A_93 = vector.load %arg14[%get3A_91, %get3A_92] : memref<1x64xf32, #tpu.memory_space<vmem>>, vector<1x64xf32>
      %get3A_94 = arith.constant 0 : index
      %get3A_95 = arith.constant 0 : index
      %get3A_96 = vector.load %arg13[%get3A_94, %get3A_95] : memref<1x64xf32, #tpu.memory_space<vmem>>, vector<1x64xf32>
      %add3A_97 = vector.broadcast %get3A_93 : vector<1x64xf32> to vector<1024x64xf32>
      %add3A_98 = arith.addf %add3A_97, %add3A_80 : vector<1024x64xf32>
      %sub3A = arith.constant 1.000000e+00 : f32
      %sub3A_99 = vector.broadcast %sub3A : f32 to vector<1024x64xf32>
      %sub3A_100 = arith.subf %add3A_98, %sub3A_99 : vector<1024x64xf32>
      %jit3A_101 = arith.constant 0.000000e+00 : f32
      %broadcast_in_dim3A_102 = vector.broadcast %jit3A_101 : f32 to vector<1024x64xf32>
      %select_n3A_103 = arith.select %eq3A_31, %sub3A_100, %broadcast_in_dim3A_102 : vector<1024x64xi1>, vector<1024x64xf32>
      %reduce_sum3A_104 = arith.constant dense<0.000000e+00> : vector<1024xf32>
      %reduce_sum3A_105 = vector.multi_reduction <add>, %select_n3A_103, %reduce_sum3A_104 [1] : vector<1024x64xf32> to vector<1024xf32>
      %add3A_106 = arith.addf %get3A_93, %get3A_96 : vector<1x64xf32>
      %add3A_107 = vector.broadcast %add3A_106 : vector<1x64xf32> to vector<1024x64xf32>
      %add3A_108 = arith.addf %add3A_107, %add3A_90 : vector<1024x64xf32>
      %sub3A_109 = arith.constant 1.000000e+00 : f32
      %sub3A_110 = vector.broadcast %sub3A_109 : f32 to vector<1024x64xf32>
      %sub3A_111 = arith.subf %add3A_108, %sub3A_110 : vector<1024x64xf32>
      %jit3A_112 = arith.constant 0.000000e+00 : f32
      %broadcast_in_dim3A_113 = vector.broadcast %jit3A_112 : f32 to vector<1024x64xf32>
      %select_n3A_114 = arith.select %eq3A_33, %sub3A_111, %broadcast_in_dim3A_113 : vector<1024x64xi1>, vector<1024x64xf32>
      %reduce_sum3A_115 = arith.constant dense<0.000000e+00> : vector<1024xf32>
      %reduce_sum3A_116 = vector.multi_reduction <add>, %select_n3A_114, %reduce_sum3A_115 [1] : vector<1024x64xf32> to vector<1024xf32>
      %convert_element_type3A_117 = arith.fptosi %reduce_sum3A_105 : vector<1024xf32> to vector<1024xi32>
      %swap3A_118 = arith.constant 0 : index
      %swap3A_119 = vector.load %arg5[%swap3A_118] : memref<1024xi32, #tpu.memory_space<vmem>>, vector<1024xi32>
      tpu.vector_store %arg5[%swap3A_118], %convert_element_type3A_117 {strides = array<i32>} : memref<1024xi32, #tpu.memory_space<vmem>>, vector<1024xi32>,
      %convert_element_type3A_120 = arith.fptosi %reduce_sum3A_116 : vector<1024xf32> to vector<1024xi32>
      %swap3A_121 = arith.constant 0 : index
      %swap3A_122 = vector.load %arg6[%swap3A_121] : memref<1024xi32, #tpu.memory_space<vmem>>, vector<1024xi32>
      tpu.vector_store %arg6[%swap3A_121], %convert_element_type3A_120 {strides = array<i32>} : memref<1024xi32, #tpu.memory_space<vmem>>, vector<1024xi32>,
      %sub3A_123 = arith.subf %broadcast_in_dim3A, %broadcast_in_dim3A_20 : vector<1024x1xf32>
      %logistic3A = arith.negf %sub3A_123 : vector<1024x1xf32>
      %logistic3A_124 = math.exp %logistic3A : vector<1024x1xf32>
      %logistic3A_125 = arith.constant 1.000000e+00 : f32
      %logistic3A_126 = vector.broadcast %logistic3A_125 : f32 to vector<1024x1xf32>
      %logistic3A_127 = arith.addf %logistic3A_126, %logistic3A_124 : vector<1024x1xf32>
      %logistic3A_128 = arith.divf %logistic3A_126, %logistic3A_127 : vector<1024x1xf32>
      %squeeze3A = vector.shape_cast %logistic3A_128 : vector<1024x1xf32> to vector<1024xf32>
      %swap3A_129 = arith.constant 0 : index
      %swap3A_130 = vector.load %arg7[%swap3A_129] : memref<1024xf32, #tpu.memory_space<vmem>>, vector<1024xf32>
      tpu.vector_store %arg7[%swap3A_129], %squeeze3A {strides = array<i32>} : memref<1024xf32, #tpu.memory_space<vmem>>, vector<1024xf32>,
      %sub3A_131 = arith.constant 1.000000e+00 : f32
      %sub3A_132 = vector.broadcast %sub3A_131 : f32 to vector<1024xf32>
      %sub3A_133 = arith.subf %sub3A_132, %squeeze3A : vector<1024xf32>
      %swap3A_134 = arith.constant 0 : index
      %swap3A_135 = vector.load %arg8[%swap3A_134] : memref<1024xf32, #tpu.memory_space<vmem>>, vector<1024xf32>
      tpu.vector_store %arg8[%swap3A_134], %sub3A_133 {strides = array<i32>} : memref<1024xf32, #tpu.memory_space<vmem>>, vector<1024xf32>,
      %get3A_136 = arith.constant 0 : index
      %get3A_137 = arith.constant 0 : index
      %get3A_138 = vector.load %arg11[%get3A_136, %get3A_137] : memref<1x64xf32, #tpu.memory_space<vmem>>, vector<1x64xf32>
      %add3A_139 = arith.addf %get3A_138, %broadcast_in_dim3A_37 : vector<1x64xf32>
      %swap3A_140 = arith.constant 0 : index
      %swap3A_141 = arith.constant 0 : index
      %swap3A_142 = vector.load %arg11[%swap3A_140, %swap3A_141] : memref<1x64xf32, #tpu.memory_space<vmem>>, vector<1x64xf32>
      tpu.vector_store %arg11[%swap3A_140, %swap3A_141], %add3A_139 {strides = array<i32>} : memref<1x64xf32, #tpu.memory_space<vmem>>, vector<1x64xf32>,
      %get3A_143 = arith.constant 0 : index
      %get3A_144 = arith.constant 0 : index
      %get3A_145 = vector.load %arg12[%get3A_143, %get3A_144] : memref<1x64xf32, #tpu.memory_space<vmem>>, vector<1x64xf32>
      %add3A_146 = arith.addf %get3A_145, %broadcast_in_dim3A_42 : vector<1x64xf32>
      %swap3A_147 = arith.constant 0 : index
      %swap3A_148 = arith.constant 0 : index
      %swap3A_149 = vector.load %arg12[%swap3A_147, %swap3A_148] : memref<1x64xf32, #tpu.memory_space<vmem>>, vector<1x64xf32>
      tpu.vector_store %arg12[%swap3A_147, %swap3A_148], %add3A_146 {strides = array<i32>} : memref<1x64xf32, #tpu.memory_space<vmem>>, vector<1x64xf32>,
    } else {
    }
    return
  }
  func.func @transform_0(%arg0: i32, %arg1: i32) -> (i32, i32) {
    %sub3A = arith.constant 1 : i32
    %sub3A_0 = arith.subi %sub3A, %arg0 : i32
    %mul3A = arith.muli %sub3A_0, %arg1 : i32
    %c0_i32 = arith.constant 0 : i32
    %c0_i32_1 = arith.constant 0 : i32
    return %mul3A, %c0_i32 : i32, i32
  }
  func.func @transform_1(%arg0: i32, %arg1: i32) -> (i32, i32) {
    %c0_i32 = arith.constant 0 : i32
    %c0_i32_0 = arith.constant 0 : i32
    %c0_i32_1 = arith.constant 0 : i32
    return %c0_i32, %c0_i32_0 : i32, i32
  }
  func.func @transform_2(%arg0: i32, %arg1: i32) -> (i32, i32) {
    %c0_i32 = arith.constant 0 : i32
    %c0_i32_0 = arith.constant 0 : i32
    return %arg1, %c0_i32 : i32, i32
  }
  func.func @transform_3(%arg0: i32, %arg1: i32) -> i32 {
    %c0_i32 = arith.constant 0 : i32
    return %arg1 : i32
  }
  func.func @transform_4(%arg0: i32, %arg1: i32) -> i32 {
    %c0_i32 = arith.constant 0 : i32
    return %arg1 : i32
  }
  func.func @transform_5(%arg0: i32, %arg1: i32) -> i32 {
    %c0_i32 = arith.constant 0 : i32
    return %arg1 : i32
  }
  func.func @transform_6(%arg0: i32, %arg1: i32) -> i32 {
    %c0_i32 = arith.constant 0 : i32
    return %arg1 : i32
  }
  func.func @transform_7(%arg0: i32, %arg1: i32) -> i32 {
    %c0_i32 = arith.constant 0 : i32
    %c0_i32_0 = arith.constant 0 : i32
    return %c0_i32 : i32
  }
  func.func @transform_8(%arg0: i32, %arg1: i32) -> i32 {
    %c0_i32 = arith.constant 0 : i32
    %c0_i32_0 = arith.constant 0 : i32
    return %c0_i32 : i32
  }
}

module attributes {stable_mosaic.version = 14 : i64} {
  func.func @_ffn_body(%arg0: i32, %arg1: memref<96xi32, #tpu.memory_space<smem>>, %arg2: memref<1xi32, #tpu.memory_space<smem>>, %arg3: memref<128x384xi32, #tpu.memory_space<vmem>>, %arg4: memref<1x768x256xf32, #tpu.memory_space<vmem>>, %arg5: memref<1x768x256xf32, #tpu.memory_space<vmem>>, %arg6: memref<1x256x768xf32, #tpu.memory_space<vmem>>, %arg7: memref<128x384xi32, #tpu.memory_space<vmem>>) attributes {dimension_semantics = [#tpu.dimension_semantics<arbitrary>], iteration_bounds = array<i64: 96>, scalar_prefetch = 2 : i64, scratch_operands = 0 : i64, tpu.core_type = #tpu.core_type<tc>, window_params = [{transform_indices = @transform_0, window_bounds = array<i64: 128, 384>}, {transform_indices = @transform_1, window_bounds = array<i64: 1, 768, 256>}, {transform_indices = @transform_2, window_bounds = array<i64: 1, 768, 256>}, {transform_indices = @transform_3, window_bounds = array<i64: 1, 256, 768>}, {transform_indices = @transform_4, window_bounds = array<i64: 128, 384>}]} {
    %get3A = arith.constant 0 : index
    %get3A_0 = memref.load %arg2[%get3A] : memref<1xi32, #tpu.memory_space<smem>>
    %lt3A = arith.cmpi slt, %arg0, %get3A_0 : i32
    %convert_element_type3A = arith.extui %lt3A : i1 to i32
    %cond3A = arith.constant 0 : i32
    %cond3A_1 = arith.cmpi ne, %convert_element_type3A, %cond3A : i32
    scf.if %cond3A_1 {
      %get3A_2 = arith.constant 0 : index
      %get3A_3 = arith.constant 0 : index
      %get3A_4 = vector.load %arg3[%get3A_2, %get3A_3] : memref<128x384xi32, #tpu.memory_space<vmem>>, vector<128x384xi32>
      %bitcast_convert_type3A = tpu.bitcast %get3A_4 : vector<128x384xi32> -> vector<128x384xi32>
      %and3A = arith.constant 65535 : i32
      %and3A_5 = vector.broadcast %and3A : i32 to vector<128x384xi32>
      %and3A_6 = arith.andi %bitcast_convert_type3A, %and3A_5 : vector<128x384xi32>
      %convert_element_type3A_7 = arith.trunci %and3A_6 : vector<128x384xi32> to vector<128x384xi16>
      %bitcast_convert_type3A_8 = tpu.bitcast %convert_element_type3A_7 : vector<128x384xi16> -> vector<128x384xbf16>
      %shift_right_logical3A = arith.constant 16 : i32
      %shift_right_logical3A_9 = vector.broadcast %shift_right_logical3A : i32 to vector<128x384xi32>
      %shift_right_logical3A_10 = arith.shrui %bitcast_convert_type3A, %shift_right_logical3A_9 : vector<128x384xi32>
      %convert_element_type3A_11 = arith.trunci %shift_right_logical3A_10 : vector<128x384xi32> to vector<128x384xi16>
      %bitcast_convert_type3A_12 = tpu.bitcast %convert_element_type3A_11 : vector<128x384xi16> -> vector<128x384xbf16>
      %concatenate3A = tpu.concatenate %bitcast_convert_type3A_8, %bitcast_convert_type3A_12 in 1 : vector<128x384xbf16>, vector<128x384xbf16> -> vector<128x768xbf16>
      %get3A_13 = arith.constant 0 : index
      %get3A_14 = arith.constant 0 : index
      %get3A_15 = arith.constant 0 : index
      %get3A_16 = vector.load %arg4[%get3A_13, %get3A_14, %get3A_15] : memref<1x768x256xf32, #tpu.memory_space<vmem>>, vector<1x768x256xf32>
      %get3A_17 = vector.shape_cast %get3A_16 : vector<1x768x256xf32> to vector<768x256xf32>
      %convert_element_type3A_18 = arith.truncf %get3A_17 : vector<768x256xf32> to vector<768x256xbf16>
      %dot_general3A = arith.constant dense<0.000000e+00> : vector<128x256xf32>
      %dot_general3A_19 = tpu.matmul %concatenate3A, %convert_element_type3A_18, %dot_general3A {dimension_numbers = #tpu.dot_dimension_numbers<[1], [0], [0], [1], [0, 0, 1, 1], [], []>, transpose_lhs_hint = false} : vector<128x768xbf16>, vector<768x256xbf16>, vector<128x256xf32> -> vector<128x256xf32>
      %get3A_20 = arith.constant 0 : index
      %get3A_21 = arith.constant 0 : index
      %get3A_22 = arith.constant 0 : index
      %get3A_23 = vector.load %arg5[%get3A_20, %get3A_21, %get3A_22] : memref<1x768x256xf32, #tpu.memory_space<vmem>>, vector<1x768x256xf32>
      %get3A_24 = vector.shape_cast %get3A_23 : vector<1x768x256xf32> to vector<768x256xf32>
      %convert_element_type3A_25 = arith.truncf %get3A_24 : vector<768x256xf32> to vector<768x256xbf16>
      %dot_general3A_26 = arith.constant dense<0.000000e+00> : vector<128x256xf32>
      %dot_general3A_27 = tpu.matmul %concatenate3A, %convert_element_type3A_25, %dot_general3A_26 {dimension_numbers = #tpu.dot_dimension_numbers<[1], [0], [0], [1], [0, 0, 1, 1], [], []>, transpose_lhs_hint = false} : vector<128x768xbf16>, vector<768x256xbf16>, vector<128x256xf32> -> vector<128x256xf32>
      %logistic3A = arith.negf %dot_general3A_19 : vector<128x256xf32>
      %logistic3A_28 = math.exp %logistic3A : vector<128x256xf32>
      %logistic3A_29 = arith.constant 1.000000e+00 : f32
      %logistic3A_30 = vector.broadcast %logistic3A_29 : f32 to vector<128x256xf32>
      %logistic3A_31 = arith.addf %logistic3A_30, %logistic3A_28 : vector<128x256xf32>
      %logistic3A_32 = arith.divf %logistic3A_30, %logistic3A_31 : vector<128x256xf32>
      %mul3A = arith.mulf %dot_general3A_19, %logistic3A_32 : vector<128x256xf32>
      %mul3A_33 = arith.mulf %mul3A, %dot_general3A_27 : vector<128x256xf32>
      %convert_element_type3A_34 = arith.truncf %mul3A_33 : vector<128x256xf32> to vector<128x256xbf16>
      %get3A_35 = arith.constant 0 : index
      %get3A_36 = arith.constant 0 : index
      %get3A_37 = arith.constant 0 : index
      %get3A_38 = vector.load %arg6[%get3A_35, %get3A_36, %get3A_37] : memref<1x256x768xf32, #tpu.memory_space<vmem>>, vector<1x256x768xf32>
      %get3A_39 = vector.shape_cast %get3A_38 : vector<1x256x768xf32> to vector<256x768xf32>
      %convert_element_type3A_40 = arith.truncf %get3A_39 : vector<256x768xf32> to vector<256x768xbf16>
      %dot_general3A_41 = arith.constant dense<0.000000e+00> : vector<128x768xf32>
      %dot_general3A_42 = tpu.matmul %convert_element_type3A_34, %convert_element_type3A_40, %dot_general3A_41 {dimension_numbers = #tpu.dot_dimension_numbers<[1], [0], [0], [1], [0, 0, 1, 1], [], []>, transpose_lhs_hint = false} : vector<128x256xbf16>, vector<256x768xbf16>, vector<128x768xf32> -> vector<128x768xf32>
      %slice3A = vector.extract_strided_slice %dot_general3A_42 {offsets = [0, 0], sizes = [128, 384], strides = [1, 1]} : vector<128x768xf32> to vector<128x384xf32>
      %convert_element_type3A_43 = arith.truncf %slice3A : vector<128x384xf32> to vector<128x384xbf16>
      %slice3A_44 = vector.extract_strided_slice %dot_general3A_42 {offsets = [0, 384], sizes = [128, 384], strides = [1, 1]} : vector<128x768xf32> to vector<128x384xf32>
      %convert_element_type3A_45 = arith.truncf %slice3A_44 : vector<128x384xf32> to vector<128x384xbf16>
      %bitcast_convert_type3A_46 = tpu.bitcast %convert_element_type3A_43 : vector<128x384xbf16> -> vector<128x384xi16>
      %convert_element_type3A_47 = arith.extui %bitcast_convert_type3A_46 : vector<128x384xi16> to vector<128x384xi32>
      %bitcast_convert_type3A_48 = tpu.bitcast %convert_element_type3A_45 : vector<128x384xbf16> -> vector<128x384xi16>
      %convert_element_type3A_49 = arith.extui %bitcast_convert_type3A_48 : vector<128x384xi16> to vector<128x384xi32>
      %shift_left3A = arith.constant 16 : i32
      %shift_left3A_50 = vector.broadcast %shift_left3A : i32 to vector<128x384xi32>
      %shift_left3A_51 = arith.shli %convert_element_type3A_49, %shift_left3A_50 : vector<128x384xi32>
      %or3A = arith.ori %convert_element_type3A_47, %shift_left3A_51 : vector<128x384xi32>
      %bitcast_convert_type3A_52 = tpu.bitcast %or3A : vector<128x384xi32> -> vector<128x384xi32>
      %swap3A = arith.constant 0 : index
      %swap3A_53 = arith.constant 0 : index
      %swap3A_54 = vector.load %arg7[%swap3A, %swap3A_53] : memref<128x384xi32, #tpu.memory_space<vmem>>, vector<128x384xi32>
      tpu.vector_store %arg7[%swap3A, %swap3A_53], %bitcast_convert_type3A_52 {strides = array<i32>} : memref<128x384xi32, #tpu.memory_space<vmem>>, vector<128x384xi32>,
    } else {
    }
    return
  }
  func.func @transform_0(%arg0: i32, %arg1: memref<96xi32, #tpu.memory_space<smem>>, %arg2: memref<1xi32, #tpu.memory_space<smem>>) -> (i32, i32) {
    %get3A = arith.constant 0 : index
    %get3A_0 = memref.load %arg2[%get3A] : memref<1xi32, #tpu.memory_space<smem>>
    %min3A = arith.minsi %arg0, %get3A_0 : i32
    %c0_i32 = arith.constant 0 : i32
    %c0_i32_1 = arith.constant 0 : i32
    return %min3A, %c0_i32 : i32, i32
  }
  func.func @transform_1(%arg0: i32, %arg1: memref<96xi32, #tpu.memory_space<smem>>, %arg2: memref<1xi32, #tpu.memory_space<smem>>) -> (i32, i32, i32) {
    %get3A = arith.index_cast %arg0 : i32 to index
    %get3A_0 = memref.load %arg1[%get3A] : memref<96xi32, #tpu.memory_space<smem>>
    %c0_i32 = arith.constant 0 : i32
    %c0_i32_1 = arith.constant 0 : i32
    %c0_i32_2 = arith.constant 0 : i32
    return %get3A_0, %c0_i32, %c0_i32_1 : i32, i32, i32
  }
  func.func @transform_2(%arg0: i32, %arg1: memref<96xi32, #tpu.memory_space<smem>>, %arg2: memref<1xi32, #tpu.memory_space<smem>>) -> (i32, i32, i32) {
    %get3A = arith.index_cast %arg0 : i32 to index
    %get3A_0 = memref.load %arg1[%get3A] : memref<96xi32, #tpu.memory_space<smem>>
    %c0_i32 = arith.constant 0 : i32
    %c0_i32_1 = arith.constant 0 : i32
    %c0_i32_2 = arith.constant 0 : i32
    return %get3A_0, %c0_i32, %c0_i32_1 : i32, i32, i32
  }
  func.func @transform_3(%arg0: i32, %arg1: memref<96xi32, #tpu.memory_space<smem>>, %arg2: memref<1xi32, #tpu.memory_space<smem>>) -> (i32, i32, i32) {
    %get3A = arith.index_cast %arg0 : i32 to index
    %get3A_0 = memref.load %arg1[%get3A] : memref<96xi32, #tpu.memory_space<smem>>
    %c0_i32 = arith.constant 0 : i32
    %c0_i32_1 = arith.constant 0 : i32
    %c0_i32_2 = arith.constant 0 : i32
    return %get3A_0, %c0_i32, %c0_i32_1 : i32, i32, i32
  }
  func.func @transform_4(%arg0: i32, %arg1: memref<96xi32, #tpu.memory_space<smem>>, %arg2: memref<1xi32, #tpu.memory_space<smem>>) -> (i32, i32) {
    %get3A = arith.constant 0 : index
    %get3A_0 = memref.load %arg2[%get3A] : memref<1xi32, #tpu.memory_space<smem>>
    %min3A = arith.minsi %arg0, %get3A_0 : i32
    %c0_i32 = arith.constant 0 : i32
    %c0_i32_1 = arith.constant 0 : i32
    return %min3A, %c0_i32 : i32, i32
  }
}

module attributes {stable_mosaic.version = 14 : i64} {
  func.func @_combine_body(%arg0: i32, %arg1: memref<1024x384xi32, #tpu.memory_space<vmem>>, %arg2: memref<1024x384xi32, #tpu.memory_space<vmem>>, %arg3: memref<1024x1xf32, #tpu.memory_space<vmem>>, %arg4: memref<1024x1xf32, #tpu.memory_space<vmem>>, %arg5: memref<1024x768xf32, #tpu.memory_space<vmem>>) attributes {dimension_semantics = [#tpu.dimension_semantics<arbitrary>], iteration_bounds = array<i64: 2>, scalar_prefetch = 0 : i64, scratch_operands = 0 : i64, tpu.core_type = #tpu.core_type<tc>, window_params = [{transform_indices = @transform_0, window_bounds = array<i64: 1024, 384>}, {transform_indices = @transform_1, window_bounds = array<i64: 1024, 384>}, {transform_indices = @transform_2, window_bounds = array<i64: 1024, 1>}, {transform_indices = @transform_3, window_bounds = array<i64: 1024, 1>}, {transform_indices = @transform_4, window_bounds = array<i64: 1024, 768>}]} {
    %get3A = arith.constant 0 : index
    %get3A_0 = arith.constant 0 : index
    %get3A_1 = vector.load %arg1[%get3A, %get3A_0] : memref<1024x384xi32, #tpu.memory_space<vmem>>, vector<1024x384xi32>
    %bitcast_convert_type3A = tpu.bitcast %get3A_1 : vector<1024x384xi32> -> vector<1024x384xi32>
    %and3A = arith.constant 65535 : i32
    %and3A_2 = vector.broadcast %and3A : i32 to vector<1024x384xi32>
    %and3A_3 = arith.andi %bitcast_convert_type3A, %and3A_2 : vector<1024x384xi32>
    %convert_element_type3A = arith.trunci %and3A_3 : vector<1024x384xi32> to vector<1024x384xi16>
    %bitcast_convert_type3A_4 = tpu.bitcast %convert_element_type3A : vector<1024x384xi16> -> vector<1024x384xbf16>
    %shift_right_logical3A = arith.constant 16 : i32
    %shift_right_logical3A_5 = vector.broadcast %shift_right_logical3A : i32 to vector<1024x384xi32>
    %shift_right_logical3A_6 = arith.shrui %bitcast_convert_type3A, %shift_right_logical3A_5 : vector<1024x384xi32>
    %convert_element_type3A_7 = arith.trunci %shift_right_logical3A_6 : vector<1024x384xi32> to vector<1024x384xi16>
    %bitcast_convert_type3A_8 = tpu.bitcast %convert_element_type3A_7 : vector<1024x384xi16> -> vector<1024x384xbf16>
    %concatenate3A = tpu.concatenate %bitcast_convert_type3A_4, %bitcast_convert_type3A_8 in 1 : vector<1024x384xbf16>, vector<1024x384xbf16> -> vector<1024x768xbf16>
    %convert_element_type3A_9 = arith.extf %concatenate3A : vector<1024x768xbf16> to vector<1024x768xf32>
    %get3A_10 = arith.constant 0 : index
    %get3A_11 = arith.constant 0 : index
    %get3A_12 = vector.load %arg2[%get3A_10, %get3A_11] : memref<1024x384xi32, #tpu.memory_space<vmem>>, vector<1024x384xi32>
    %bitcast_convert_type3A_13 = tpu.bitcast %get3A_12 : vector<1024x384xi32> -> vector<1024x384xi32>
    %and3A_14 = arith.constant 65535 : i32
    %and3A_15 = vector.broadcast %and3A_14 : i32 to vector<1024x384xi32>
    %and3A_16 = arith.andi %bitcast_convert_type3A_13, %and3A_15 : vector<1024x384xi32>
    %convert_element_type3A_17 = arith.trunci %and3A_16 : vector<1024x384xi32> to vector<1024x384xi16>
    %bitcast_convert_type3A_18 = tpu.bitcast %convert_element_type3A_17 : vector<1024x384xi16> -> vector<1024x384xbf16>
    %shift_right_logical3A_19 = arith.constant 16 : i32
    %shift_right_logical3A_20 = vector.broadcast %shift_right_logical3A_19 : i32 to vector<1024x384xi32>
    %shift_right_logical3A_21 = arith.shrui %bitcast_convert_type3A_13, %shift_right_logical3A_20 : vector<1024x384xi32>
    %convert_element_type3A_22 = arith.trunci %shift_right_logical3A_21 : vector<1024x384xi32> to vector<1024x384xi16>
    %bitcast_convert_type3A_23 = tpu.bitcast %convert_element_type3A_22 : vector<1024x384xi16> -> vector<1024x384xbf16>
    %concatenate3A_24 = tpu.concatenate %bitcast_convert_type3A_18, %bitcast_convert_type3A_23 in 1 : vector<1024x384xbf16>, vector<1024x384xbf16> -> vector<1024x768xbf16>
    %convert_element_type3A_25 = arith.extf %concatenate3A_24 : vector<1024x768xbf16> to vector<1024x768xf32>
    %get3A_26 = arith.constant 0 : index
    %get3A_27 = arith.constant 0 : index
    %get3A_28 = vector.load %arg3[%get3A_26, %get3A_27] : memref<1024x1xf32, #tpu.memory_space<vmem>>, vector<1024x1xf32>
    %mul3A = vector.broadcast %get3A_28 : vector<1024x1xf32> to vector<1024x768xf32>
    %mul3A_29 = arith.mulf %mul3A, %convert_element_type3A_9 : vector<1024x768xf32>
    %get3A_30 = arith.constant 0 : index
    %get3A_31 = arith.constant 0 : index
    %get3A_32 = vector.load %arg4[%get3A_30, %get3A_31] : memref<1024x1xf32, #tpu.memory_space<vmem>>, vector<1024x1xf32>
    %mul3A_33 = vector.broadcast %get3A_32 : vector<1024x1xf32> to vector<1024x768xf32>
    %mul3A_34 = arith.mulf %mul3A_33, %convert_element_type3A_25 : vector<1024x768xf32>
    %add3A = arith.addf %mul3A_29, %mul3A_34 : vector<1024x768xf32>
    %swap3A = arith.constant 0 : index
    %swap3A_35 = arith.constant 0 : index
    %swap3A_36 = vector.load %arg5[%swap3A, %swap3A_35] : memref<1024x768xf32, #tpu.memory_space<vmem>>, vector<1024x768xf32>
    tpu.vector_store %arg5[%swap3A, %swap3A_35], %add3A {strides = array<i32>} : memref<1024x768xf32, #tpu.memory_space<vmem>>, vector<1024x768xf32>,
    return
  }
  func.func @transform_0(%arg0: i32) -> (i32, i32) {
    %c0_i32 = arith.constant 0 : i32
    %c0_i32_0 = arith.constant 0 : i32
    return %arg0, %c0_i32 : i32, i32
  }
  func.func @transform_1(%arg0: i32) -> (i32, i32) {
    %c0_i32 = arith.constant 0 : i32
    %c0_i32_0 = arith.constant 0 : i32
    return %arg0, %c0_i32 : i32, i32
  }
  func.func @transform_2(%arg0: i32) -> (i32, i32) {
    %c0_i32 = arith.constant 0 : i32
    %c0_i32_0 = arith.constant 0 : i32
    return %arg0, %c0_i32 : i32, i32
  }
  func.func @transform_3(%arg0: i32) -> (i32, i32) {
    %c0_i32 = arith.constant 0 : i32
    %c0_i32_0 = arith.constant 0 : i32
    return %arg0, %c0_i32 : i32, i32
  }
  func.func @transform_4(%arg0: i32) -> (i32, i32) {
    %c0_i32 = arith.constant 0 : i32
    %c0_i32_0 = arith.constant 0 : i32
    return %arg0, %c0_i32 : i32, i32
  }
}

</mosaic_0001>

<sc_bundles>
// kernel: kernel.10.cloned.1.call-start
scs
__scs_entry_jumppad:
0x0: {  	(pc) =	sbr.rel $0x88, $3  }
0x1: {  	(tag) =	ssettag $0x0;
	lr =	simm.s32 $0x1  }
0x2: {  	[smem:$0x3F9C] =	sst lr;
	_ =	strace $0xD0000000  }
0x3: {  	_ = 	snop  }
0x4: {  	_ = 	snop  }
0x5: {  	_ = 	snop  }
0x6: {  	_ = 	snop  }
0x7: {  	_ = 	snop  }
__scs_overlays_trampoline_lowered:
0x8: {  	[smem:$0x3FAB] =	sst s0  }
0x9: {  	[smem:$0x3FAC] =	sst s1  }
0xa: {  	[smem:$0x3FAD] =	sst s2  }
0xb: {  	[smem:$0x3FAE] =	sst s3  }
0xc: {  	[smem:$0x3FAF] =	sst s4  }
0xd: {  	[smem:$0x3FB0] =	sst s5  }
0xe: {  	[smem:$0x3FB1] =	sst s6  }
0xf: {  	[smem:$0x3FB2] =	sst s7  }
0x10: {  	[smem:$0x3FB3] =	sst s8  }
0x11: {  	[smem:$0x3FB4] =	sst s9;
	s0 =	simm.s32 @!p0 $0x0  }
0x12: {  	s1 =	sld [smem:$0x3F9A];
	s0 =	simm.s32 @p0 $0x1  }
0x13: {  	[smem:$0x3FB5] =	sst s0;
	s0 =	simm.s32 @!p1 $0x0  }
0x14: {  	s2 =	sld [smem:$0x3F99];
	s0 =	simm.s32 @p1 $0x1  }
0x15: {  	[smem:$0x3FB6] =	sst s0;
	s0 =	simm.s32 @!p2 $0x0  }
0x16: {  	s3 =	sld [smem:$0x3FDB];
	s0 =	simm.s32 @p2 $0x1  }
0x17: {  	s4 =	simm.s32 $0x1BF5;
	[smem:$0x3FB8] =	sst s0  }
0x18: {  	s0 =	sld [smem:$0x3F9B];
	_ =	swait.ge [sflag:s4], $0x0  }
0x19: {  	s7 =	sld [smem:$0x3F9C]  }
0x1a: {  	s8 =	sadd.s32 $0xFFFFE003, lr  }
0x1b: {  	s9 =	sadd.s32 $0xFFFFFEF7, lr;
	s5 =	simm.s32 $0xFFFFFFFF;
	p2 =	slt.u32 s8, $0xFFFFF086  }
0x1c: {  	p1 =	slt.u32 s9, $0xF7A;
	s5 =	simm.s32 @!p2 $0x0  }
0x1d: {  	s5 =	simm.s32 @p1 $0x1;
	p0 =	seq.s32 s7, s2  }
0x1e: {  	s7 =	smul.u32 @!p0 $0xF7A, s2;
	p2 =	seq.s32 @!p0 s5, $0x0  }
0x1f: {  	s9 =	smul.u32 $0xF7A, s1;
	s8 =	simm.s32 @!p0 $0x1BF5;
	p2 =	por !p2, p0  }
0x20: {  	[sflag:s8] =	ssyncset.s32 @!p0 $0xFFFFF086;
	s6 =	sadd.s32 @!p0 s3, s7;
	s7 =	simm.s32 @!p0 $0x108  }
0x21: {  	s3 =	sadd.s32 s3, s9;
	s6 =	sadd.s32 @!p0 $0x88, s6;
	s7 =	simm.s32 @p2 $0x1082  }
0x22: {  	[simem:s7], [sflag:s8] =	dma.local @!p0 [hbm:s6], $0xF7A  }
0x23: {  	s9 =	sor.u32 $0xD0000000, s2;
	s6 =	simm.s32 $0x108;
	_ =	swait.ge @!p0 [sflag:s8], $0x0  }
0x24: {  	s3 =	sadd.s32 $0x88, s3;
	s6 =	simm.s32 @!p1 $0x1082;
	[sflag:s4] =	ssyncset.s32 $0xFFFFF086  }
0x25: {  	[simem:s6], [sflag:s4] =	dma.local [hbm:s3], $0xF7A  }
0x26: {  	[smem:$0x3F9C] =	sst s1;
	(tag) =	ssettag s2;
	_ =	strace s9  }
0x27: {  	s1 =	sld [smem:$0x3FAC]  }
0x28: {  	s2 =	sld [smem:$0x3FAD]  }
0x29: {  	s4 =	sld [smem:$0x3FAF]  }
0x2a: {  	p0 =	seq.s32 s5, $0x0;
	s5 =	sld [smem:$0x3FB0]  }
0x2b: {  	s6 =	sld [smem:$0x3FB1]  }
0x2c: {  	s7 =	sld [smem:$0x3FB2]  }
0x2d: {  	s3 =	simm.s32 $0x108;
	s8 =	sld [smem:$0x3FB3]  }
0x2e: {  	s3 =	simm.s32 @!p0 $0x1082;
	s9 =	sld [smem:$0x3FB4]  }
0x2f: {  	lr =	sadd.s32 s0, s3;
	s0 =	sld [smem:$0x3FAB]  }
0x30: {  	s3 =	sld [smem:$0x3FAE]  }
0x31: {  	[smem:$0x3FB7] =	sst s10  }
0x32: {  	s10 =	sld [smem:$0x3FB5];
	_ =	sdelay $0x3  }
0x33: {  	p0 =	seq.s32 s10, $0x1;
	s10 =	sld [smem:$0x3FB7];
	_ =	sdelay $0x3  }
0x34: {  	[smem:$0x3FB7] =	sst s10  }
0x35: {  	s10 =	sld [smem:$0x3FB6];
	_ =	sdelay $0x3  }
0x36: {  	p1 =	seq.s32 s10, $0x1;
	s10 =	sld [smem:$0x3FB7];
	_ =	sdelay $0x3  }
0x37: {  	[smem:$0x3FB7] =	sst s10  }
0x38: {  	s10 =	sld [smem:$0x3FB8]  }
0x39: {  	_ = 	snop;
	(pc) =	sbr.ind lr, $3  }
0x3a: {  	_ = 	snop  }
0x3b: {  	_ = 	snop  }
0x3c: {  	p2 =	seq.s32 s10, $0x1;
	s10 =	sld [smem:$0x3FB7]  }
0x3d: {  	_ =	shalt  }
0x3e: {  	_ =	shalt  }
0x3f: {  	_ =	shalt  }
0x40: {  	_ =	shalt  }
0x41: {  	_ =	shalt  }
0x42: {  	_ =	shalt  }
0x43: {  	_ =	shalt  }
0x44: {  	_ =	shalt  }
0x45: {  	_ =	shalt  }
0x46: {  	_ =	shalt  }
0x47: {  	_ =	shalt  }
0x48: {  	_ =	shalt  }
0x49: {  	_ =	shalt  }
0x4a: {  	_ =	shalt  }
0x4b: {  	_ =	shalt  }
0x4c: {  	_ =	shalt  }
0x4d: {  	_ =	shalt  }
0x4e: {  	_ =	shalt  }
0x4f: {  	_ =	shalt  }
0x50: {  	_ =	shalt  }
0x51: {  	_ =	shalt  }
0x52: {  	_ =	shalt  }
0x53: {  	_ =	shalt  }
0x54: {  	_ =	shalt  }
0x55: {  	_ =	shalt  }
0x56: {  	_ =	shalt  }
0x57: {  	_ =	shalt  }
0x58: {  	_ =	shalt  }
0x59: {  	_ =	shalt  }
0x5a: {  	_ =	shalt  }
0x5b: {  	_ =	shalt  }
0x5c: {  	_ =	shalt  }
0x5d: {  	_ =	shalt  }
0x5e: {  	_ =	shalt  }
0x5f: {  	_ =	shalt  }
0x60: {  	_ =	shalt  }
0x61: {  	_ =	shalt  }
0x62: {  	_ =	shalt  }
0x63: {  	_ =	shalt  }
0x64: {  	_ =	shalt  }
0x65: {  	_ =	shalt  }
0x66: {  	_ =	shalt  }
0x67: {  	_ =	shalt  }
0x68: {  	_ =	shalt  }
0x69: {  	_ =	shalt  }
0x6a: {  	_ =	shalt  }
0x6b: {  	_ =	shalt  }
0x6c: {  	_ =	shalt  }
0x6d: {  	_ =	shalt  }
0x6e: {  	_ =	shalt  }
0x6f: {  	_ =	shalt  }
0x70: {  	_ =	shalt  }
0x71: {  	_ =	shalt  }
0x72: {  	_ =	shalt  }
0x73: {  	_ =	shalt  }
0x74: {  	_ =	shalt  }
0x75: {  	_ =	shalt  }
0x76: {  	_ =	shalt  }
0x77: {  	_ =	shalt  }
0x78: {  	_ =	shalt  }
0x79: {  	_ =	shalt  }
0x7a: {  	_ =	shalt  }
0x7b: {  	_ =	shalt  }
0x7c: {  	_ =	shalt  }
0x7d: {  	_ =	shalt  }
0x7e: {  	_ =	shalt  }
0x7f: {  	_ =	shalt  }
0x80: {  	_ =	shalt  }
0x81: {  	_ =	shalt  }
0x82: {  	_ =	shalt  }
0x83: {  	_ =	shalt  }
0x84: {  	_ =	shalt  }
0x85: {  	_ =	shalt  }
0x86: {  	_ =	shalt  }
0x87: {  	_ =	shalt  }
.Lfunc_end0:
.L_simem_size_0:
called_computation.1_lowered:
.L_overlay_start_0:
0x88: {  	s2 =	sld [smem:$0x3FD9]  }
0x89: {  	s3 =	sld [smem:$0x3FFE];
	_ =	sdelay $0x1  }
0x8a: {  	s1 =	srdreg.scid  }
0x8b: {  	s0 =	sand.u32 $0x1, s1  }
0x8c: {  	s14 =	sshll.u32 s0, $0xA;
	s2 =	sadd.s32 s3, s2  }
0x8d: {  	s2 =	sadd.s32 s2, s14  }
0x8e: {  	[smem:$0x3FC3] =	sst s2  }
0x8f: {  	_ = 	snop  }
0x90: {  	s2 =	sld [smem:$0x3FD0];
	_ =	sdelay $0x2  }
0x91: {  	s15 =	simm.s32 $0xA;
	s4 =	simm.s32 $0x10  }
0x92: {  	[smem:s4], [sflag:s15] =	dma.local [hbm:s2], $0x1  }
0x93: {  	_ =	swait.eq [sflag:s15], $0x1  }
0x94: {  	[sflag:s15] =	ssyncset.done $0x0  }
0x95: {  	[sflag:s15] =	ssyncadd.s32 $0xFFFFFFFF  }
0x96: {  	s16 =	sld [smem:$0x10];
	(tm) =	ssettm $0x1  }
0x97: {  	s17 =	sld [smem:$0x3FFB];
	_ =	sdelay $0x3  }
0x98: {  	_ =	strace s17  }
0x99: {  	s3 =	sld [smem:$0x3FFC];
	_ =	sdelay $0x3  }
0x9a: {  	_ =	strace s3  }
0x9b: {  	s3 =	sld [smem:$0x3FFD];
	_ =	sdelay $0x3  }
0x9c: {  	_ =	strace s3  }
0x9d: {  	_ =	strace $0x8FFFFFFF  }
0x9e: {  	s18 =	sld [smem:$0x3FDB];
	_ =	sdelay $0x1  }
0x9f: {  	s19 =	simm.s32 $_scs_section_size  }
0xa0: {  	s5 =	simm.s32 $_size__tile_overlayer_lowered;
	s6 =	simm.s32 $_tile_overlayer_lowered  }
0xa1: {  	s22 =	simm.s32 $0x1BFF;
	s21 =	sshll.u32 s6, $0x1;
	s3 =	sadd.s32 s19, s18  }
0xa2: {  	s7 =	simm.s32 $0x0;
	s20 =	sshll.u32 s5, $0x1;
	s5 =	sadd.s32 s21, s3  }
0xa3: {  	[timem:s7], [sflag:s22] =	dma.local [hbm:s5], s20  }
0xa4: {  	_ =	swait.ge [sflag:s22], s20  }
0xa5: {  	s4 =	ssub.s32 $0x0, s20;
	[sflag:s22] =	ssyncset.done $0x0  }
0xa6: {  	[sflag:s22] =	ssyncadd.s32 s4;
	_ =	sdelay $0x1  }
0xa7: {  	s23 =	simm.s32 $0x1B8B  }
0xa8: {  	_ =	swait.ge [sflag:s23], $0x1  }
0xa9: {  	[sflag:s23] =	ssyncset.done $0x0  }
0xaa: {  	s25 =	simm.s32 $0x1B8E;
	s24 =	sld [smem:$0x3FFE];
	[sflag:s23] =	ssyncadd.s32 $0xFFFFFFFF  }
0xab: {  	s26 =	simm.s32 $execute0_lowered;
	[smem:$0x3FD2] =	sst s25  }
0xac: {  	s5 =	sshll.u32 s26, $0x1;
	_ =	strace $0x80000049;
	[dreg:$0x1] =	wrdreg $0xFFFFFFFF  }
0xad: {  	s28 =	simm.s32 $_size_execute0_lowered;
	s3 =	sadd.s32 s3, s5;
	[dreg:$0x0] =	wrdreg $0x0  }
0xae: {  	s5 =	sshll.u32 s28, $0x1;
	[dreg:$0x2] =	wrdreg s3  }
0xaf: {  	[dreg:$0x3] =	wrdreg s5  }
0xb0: {  	[dreg:$0x4] =	wrdreg $0xC0  }
0xb1: {  	_ =	task [dreg:s7], $0x5FFFF  }
0xb2: {  	[dreg:$0x1] =	wrdreg $0xFFFFFFFF  }
0xb3: {  	[dreg:$0x0] =	wrdreg $0x60  }
0xb4: {  	[dreg:$0x2] =	wrdreg s24  }
0xb5: {  	[dreg:$0x3] =	wrdreg s16  }
0xb6: {  	[dreg:$0x4] =	wrdreg $0x9  }
0xb7: {  	_ =	task.clear_ibuf [dreg:s7], $0x5FFFF;
	_ =	strace $0x90000049  }
0xb8: {  	s29 =	simm.s32 $0x9;
	_ =	strace $0x8000004B  }
0xb9: {  	_ =	swait.ge [sflag:s29], $0x1  }
0xba: {  	[sflag:s29] =	ssyncadd.s32 $0xFFFFFFFF  }
0xbb: {  	_ =	strace $0x9000004B  }
0xbc: {  	_ =	sfence  }
0xbd: {  	s30 =	sld [smem:$0x0];
	_ =	sdelay $0x2  }
0xbe: {  	s31 =	sshll.u32 s1, $0xD;
	s1 =	sshrl.u32 s1, $0x2  }
0xbf: {  	s3 =	sand.u32 $0x4000, s31;
	s1 =	sadd.s32 s1, s30  }
0xc0: {  	s0 =	sor.u32 s3, s0;
	s1 =	sshll.u32 s1, $0x11  }
0xc1: {  	s0 =	sor.u32 s1, s0  }
0xc2: {  	s0 =	sadd.s32 $0x8F2B, s0  }
0xc3: {  	[sflag:s0] =	ssyncadd.remote.s32 $0x1  }
0xc4: {  	_ =	sfence.sel $0xFFFF  }
0xc5: {  	[dreg:$0x0] =	wrdreg $0xFFFFFFFF;
	(pc) =	sbr.abs _section_cstart, $3  }
0xc6: {  	[dreg:$0x1] =	wrdreg $0xFFFFFFFF  }
0xc7: {  	_ =	task.clear_ibuf [dreg:s7], $0x2FFFF;
	_ =	strace $0x9FFFFFFF  }
0xc8: {  	(tm) =	ssettm $0x7FFFFFFF  }
0xc9: {  	_ =	shalt  }
tec
execute0_lowered:
.L_overlay_start_1:
0x0: {  	(tag) =	ssettag $0x1  }
0x1: {  	s1 =	srdreg.scid;
	s5 =	rddreg [dreg:$0x0]  }
0x2: {  	s0 =	stileid.u32;
	s6 =	rddreg [dreg:$0x1]  }
0x3: {  	s2 =	simm.s32 $0x0;
	s12 =	simm.s32 $0x880;
	s13 =	simm.s32 $0xC80  }
0x4: {  	s14 =	simm.s32 $0x1480;
	s15 =	simm.s32 $0x1880;
	s16 =	simm.s32 $0x2080  }
0x5: {  	s17 =	simm.s32 $0x2480;
	s18 =	simm.s32 $0x2C80;
	s19 =	simm.s32 $0x3080  }
0x6: {  	s20 =	simm.s32 $0x3880;
	s21 =	simm.s32 $0x3C80;
	s22 =	simm.s32 $0x4480  }
0x7: {  	s23 =	simm.s32 $0x4880;
	s24 =	simm.s32 $0x5080;
	s25 =	simm.s32 $0x5480  }
0x8: {  	s26 =	simm.s32 $0x5C80;
	s28 =	simm.s32 $0x1;
	s3 =	sand.u32 $0x1, s1  }
0x9: {  	s4 =	sshll.u32 s0, $0x4;
	s1 =	rddreg [dreg:$0x2];
	s7 =	sshll.u32 s3, $0x3  }
0xa: {  	[smem:$0x7FF] =	sst s2;
	s8 =	ssub.s32 $0x2, s3;
	s4 =	sor.u32 s7, s4  }
0xb: {  	_ =	strace $0x8000004A;
	s9 =	sshrl.u32 s8, $0x1;
	s7 =	smul.u32 $0x180, s4  }
0xc: {  	s3 =	sadd.s32 $0x2400, s5;
	s10 =	sadd.s32 s4, s5;
	s9 =	ssub.s32 s8, s9  }
0xd: {  	v2 =	vlaneseq.u32;
	s4 =	sadd.s32 $0x2000, s10;
	s9 =	smax.u32 s9, $0x1;
	s11 =	sadd.s32 s7, s5  }
0xe: {  	vm0 =	vmmov $0xffff;
	vm1 =	vmmov $0xff;
	v1 =	vshrl.u32 v2, $0x3;
	s5 =	sadd.s32 $0x2500, s5;
	s6 =	sadd.s32 s6, s7;
	s7 =	sadd.s32 $0x2200, s10  }
0xf: {  	v0 =	vand.u32 $0x7, v2;
	v2 =	vor.u32 $0x8, v2;
	v1 =	vmul.u32 $0x8, v1;
	s10 =	simm.s32 $0x2;
	s8 =	sadd.s32 $0x92400, s11;
	s11 =	simm.s32 $0x80  }
.LBB2_1:
0x10: {  	[tilespmem:s2], [sflag:$0x2] =	stream.linear.gather [hbm4b:s4+s2], $0x40, $0x38;
	[tilespmem:$0x6080] =	vst v63  }
0x11: {  	_ =	swait.ge [sflag:s10], $0x40  }
0x12: {  	[sflag:s10] =	ssyncset.done $0x0  }
0x13: {  	[sflag:s10] =	ssyncadd.s32 $0xFFFFFFC0  }
0x14: {  	v3 =	vld [tilespmem:$0x0];
	_ =	sdelay $0x4  }
0x15: {  	v4 =	vshrl.u32 v3, $0x3  }
0x16: {  	v4 =	vmul.u32 $0x18, v4  }
0x17: {  	v3 =	vand.u32 $0x7, v3  }
0x18: {  	v3 =	vor.u32 v3, v4  }
0x19: {  	v4 =	vperm.xlane v3, v0;
	_ =	sdelay $0x1  }
0x1a: {  	v4 =	vadd.s32 v1, v4;
	_ =	sdelay $0x1  }
0x1b: {  	v3 =	vperm.xlane v3, v2;
	_ =	sdelay $0x1  }
0x1c: {  	v3 =	vadd.s32 v1, v3  }
0x1d: {  	[tilespmem:s11], [sflag:$0x1] =	stream.indirect_vreg.gather [hbm4b:s3+s2], $0x80, v4, vm0, $0xb8;
	[tilespmem:$0x6080] =	vst v63  }
0x1e: {  	_ = 	snop  }
0x1f: {  	[tilespmem:s12], [sflag:$0x1] =	stream.indirect_vreg.gather [hbm4b:s5+s2], $0x80, v4, vm1, $0xb8;
	[tilespmem:$0x6080] =	vst v63  }
0x20: {  	_ = 	snop  }
0x21: {  	[tilespmem:s13], [sflag:$0x1] =	stream.indirect_vreg.gather [hbm4b:s3+s2], $0x80, v3, vm0, $0xb8;
	[tilespmem:$0x6080] =	vst v63  }
0x22: {  	_ = 	snop  }
0x23: {  	[tilespmem:s14], [sflag:$0x1] =	stream.indirect_vreg.gather [hbm4b:s5+s2], $0x80, v3, vm1, $0xb8;
	[tilespmem:$0x6080] =	vst v63  }
0x24: {  	v3 =	vld [tilespmem:$0x10];
	_ =	sdelay $0x4  }
0x25: {  	v57 =	vshrl.u32 v3, $0x3  }
0x26: {  	v4 =	vmul.u32 $0x18, v57  }
0x27: {  	v3 =	vand.u32 $0x7, v3  }
0x28: {  	v3 =	vor.u32 v3, v4  }
0x29: {  	v4 =	vperm.xlane v3, v0;
	_ =	sdelay $0x1  }
0x2a: {  	v4 =	vadd.s32 v1, v4;
	_ =	sdelay $0x1  }
0x2b: {  	v3 =	vperm.xlane v3, v2;
	_ =	sdelay $0x1  }
0x2c: {  	v3 =	vadd.s32 v1, v3  }
0x2d: {  	[tilespmem:s15], [sflag:$0x1] =	stream.indirect_vreg.gather [hbm4b:s3+s2], $0x80, v4, vm0, $0xb8;
	[tilespmem:$0x6080] =	vst v63  }
0x2e: {  	_ = 	snop  }
0x2f: {  	[tilespmem:s16], [sflag:$0x1] =	stream.indirect_vreg.gather [hbm4b:s5+s2], $0x80, v4, vm1, $0xb8;
	[tilespmem:$0x6080] =	vst v63  }
0x30: {  	_ = 	snop  }
0x31: {  	[tilespmem:s17], [sflag:$0x1] =	stream.indirect_vreg.gather [hbm4b:s3+s2], $0x80, v3, vm0, $0xb8;
	[tilespmem:$0x6080] =	vst v63  }
0x32: {  	_ = 	snop  }
0x33: {  	[tilespmem:s18], [sflag:$0x1] =	stream.indirect_vreg.gather [hbm4b:s5+s2], $0x80, v3, vm1, $0xb8;
	[tilespmem:$0x6080] =	vst v63  }
0x34: {  	v3 =	vld [tilespmem:$0x20];
	_ =	sdelay $0x4  }
0x35: {  	v58 =	vshrl.u32 v3, $0x3  }
0x36: {  	v4 =	vmul.u32 $0x18, v58  }
0x37: {  	v3 =	vand.u32 $0x7, v3  }
0x38: {  	v3 =	vor.u32 v3, v4  }
0x39: {  	v4 =	vperm.xlane v3, v0;
	_ =	sdelay $0x1  }
0x3a: {  	v4 =	vadd.s32 v1, v4;
	_ =	sdelay $0x1  }
0x3b: {  	v3 =	vperm.xlane v3, v2;
	_ =	sdelay $0x1  }
0x3c: {  	v3 =	vadd.s32 v1, v3  }
0x3d: {  	[tilespmem:s19], [sflag:$0x1] =	stream.indirect_vreg.gather [hbm4b:s3+s2], $0x80, v4, vm0, $0xb8;
	[tilespmem:$0x6080] =	vst v63  }
0x3e: {  	_ = 	snop  }
0x3f: {  	[tilespmem:s20], [sflag:$0x1] =	stream.indirect_vreg.gather [hbm4b:s5+s2], $0x80, v4, vm1, $0xb8;
	[tilespmem:$0x6080] =	vst v63  }
0x40: {  	_ = 	snop  }
0x41: {  	[tilespmem:s21], [sflag:$0x1] =	stream.indirect_vreg.gather [hbm4b:s3+s2], $0x80, v3, vm0, $0xb8;
	[tilespmem:$0x6080] =	vst v63  }
0x42: {  	_ = 	snop  }
0x43: {  	[tilespmem:s22], [sflag:$0x1] =	stream.indirect_vreg.gather [hbm4b:s5+s2], $0x80, v3, vm1, $0xb8;
	[tilespmem:$0x6080] =	vst v63  }
0x44: {  	v3 =	vld [tilespmem:$0x30];
	_ =	sdelay $0x4  }
0x45: {  	v59 =	vshrl.u32 v3, $0x3  }
0x46: {  	v4 =	vmul.u32 $0x18, v59  }
0x47: {  	v3 =	vand.u32 $0x7, v3  }
0x48: {  	v3 =	vor.u32 v3, v4  }
0x49: {  	v4 =	vperm.xlane v3, v0;
	_ =	sdelay $0x1  }
0x4a: {  	v4 =	vadd.s32 v1, v4;
	_ =	sdelay $0x1  }
0x4b: {  	v3 =	vperm.xlane v3, v2;
	_ =	sdelay $0x1  }
0x4c: {  	v3 =	vadd.s32 v1, v3  }
0x4d: {  	[tilespmem:s23], [sflag:$0x1] =	stream.indirect_vreg.gather [hbm4b:s3+s2], $0x80, v4, vm0, $0xb8;
	[tilespmem:$0x6080] =	vst v63  }
0x4e: {  	_ = 	snop  }
0x4f: {  	[tilespmem:s24], [sflag:$0x1] =	stream.indirect_vreg.gather [hbm4b:s5+s2], $0x80, v4, vm1, $0xb8;
	[tilespmem:$0x6080] =	vst v63  }
0x50: {  	_ = 	snop  }
0x51: {  	[tilespmem:s25], [sflag:$0x1] =	stream.indirect_vreg.gather [hbm4b:s3+s2], $0x80, v3, vm0, $0xb8;
	[tilespmem:$0x6080] =	vst v63  }
0x52: {  	_ = 	snop  }
0x53: {  	[tilespmem:s26], [sflag:$0x1] =	stream.indirect_vreg.gather [hbm4b:s5+s2], $0x80, v3, vm1, $0xb8;
	[tilespmem:$0x6080] =	vst v63  }
0x54: {  	_ =	swait.ge [sflag:s28], $0x6000  }
0x55: {  	[sflag:s28] =	ssyncset.done $0x0  }
0x56: {  	[sflag:s28] =	ssyncadd.s32 $0xFFFFA000  }
0x57: {  	[hbm4b:s6+s2] =	stream.linear.scatter [tilespmem:s11], [sflag:$0x2], $0x6000, $0x38;
	[tilespmem:$0x6080] =	vst v63  }
0x58: {  	_ =	swait.ge [sflag:s10], $0x6000  }
0x59: {  	[sflag:s10] =	ssyncset.done $0x0  }
0x5a: {  	[sflag:s10] =	ssyncadd.s32 $0xFFFFA000  }
0x5b: {  	[tilespmem:s2], [sflag:$0x2] =	stream.linear.gather [hbm4b:s7+s2], $0x40, $0x38;
	[tilespmem:$0x6080] =	vst v63  }
0x5c: {  	_ =	swait.ge [sflag:s10], $0x40  }
0x5d: {  	[sflag:s10] =	ssyncset.done $0x0  }
0x5e: {  	[sflag:s10] =	ssyncadd.s32 $0xFFFFFFC0  }
0x5f: {  	v3 =	vld [tilespmem:$0x0];
	_ =	sdelay $0x4  }
0x60: {  	v60 =	vshrl.u32 v3, $0x3  }
0x61: {  	v4 =	vmul.u32 $0x18, v60  }
0x62: {  	v3 =	vand.u32 $0x7, v3  }
0x63: {  	v3 =	vor.u32 v3, v4  }
0x64: {  	v4 =	vperm.xlane v3, v0;
	_ =	sdelay $0x1  }
0x65: {  	v4 =	vadd.s32 v1, v4;
	_ =	sdelay $0x1  }
0x66: {  	v3 =	vperm.xlane v3, v2;
	_ =	sdelay $0x1  }
0x67: {  	v3 =	vadd.s32 v1, v3  }
0x68: {  	[tilespmem:s11], [sflag:$0x1] =	stream.indirect_vreg.gather [hbm4b:s3+s2], $0x80, v4, vm0, $0xb8;
	[tilespmem:$0x6080] =	vst v63  }
0x69: {  	_ = 	snop  }
0x6a: {  	[tilespmem:s12], [sflag:$0x1] =	stream.indirect_vreg.gather [hbm4b:s5+s2], $0x80, v4, vm1, $0xb8;
	[tilespmem:$0x6080] =	vst v63  }
0x6b: {  	_ = 	snop  }
0x6c: {  	[tilespmem:s13], [sflag:$0x1] =	stream.indirect_vreg.gather [hbm4b:s3+s2], $0x80, v3, vm0, $0xb8;
	[tilespmem:$0x6080] =	vst v63  }
0x6d: {  	_ = 	snop  }
0x6e: {  	[tilespmem:s14], [sflag:$0x1] =	stream.indirect_vreg.gather [hbm4b:s5+s2], $0x80, v3, vm1, $0xb8;
	[tilespmem:$0x6080] =	vst v63  }
0x6f: {  	v3 =	vld [tilespmem:$0x10];
	_ =	sdelay $0x4  }
0x70: {  	v61 =	vshrl.u32 v3, $0x3  }
0x71: {  	v4 =	vmul.u32 $0x18, v61  }
0x72: {  	v3 =	vand.u32 $0x7, v3  }
0x73: {  	v3 =	vor.u32 v3, v4  }
0x74: {  	v4 =	vperm.xlane v3, v0;
	_ =	sdelay $0x1  }
0x75: {  	v4 =	vadd.s32 v1, v4;
	_ =	sdelay $0x1  }
0x76: {  	v3 =	vperm.xlane v3, v2;
	_ =	sdelay $0x1  }
0x77: {  	v3 =	vadd.s32 v1, v3  }
0x78: {  	[tilespmem:s15], [sflag:$0x1] =	stream.indirect_vreg.gather [hbm4b:s3+s2], $0x80, v4, vm0, $0xb8;
	[tilespmem:$0x6080] =	vst v63  }
0x79: {  	_ = 	snop  }
0x7a: {  	[tilespmem:s16], [sflag:$0x1] =	stream.indirect_vreg.gather [hbm4b:s5+s2], $0x80, v4, vm1, $0xb8;
	[tilespmem:$0x6080] =	vst v63  }
0x7b: {  	_ = 	snop  }
0x7c: {  	[tilespmem:s17], [sflag:$0x1] =	stream.indirect_vreg.gather [hbm4b:s3+s2], $0x80, v3, vm0, $0xb8;
	[tilespmem:$0x6080] =	vst v63  }
0x7d: {  	_ = 	snop  }
0x7e: {  	[tilespmem:s18], [sflag:$0x1] =	stream.indirect_vreg.gather [hbm4b:s5+s2], $0x80, v3, vm1, $0xb8;
	[tilespmem:$0x6080] =	vst v63  }
0x7f: {  	v3 =	vld [tilespmem:$0x20];
	_ =	sdelay $0x4  }
0x80: {  	v62 =	vshrl.u32 v3, $0x3  }
0x81: {  	v4 =	vmul.u32 $0x18, v62  }
0x82: {  	v3 =	vand.u32 $0x7, v3  }
0x83: {  	v3 =	vor.u32 v3, v4  }
0x84: {  	v4 =	vperm.xlane v3, v0;
	_ =	sdelay $0x1  }
0x85: {  	v4 =	vadd.s32 v1, v4;
	_ =	sdelay $0x1  }
0x86: {  	v3 =	vperm.xlane v3, v2;
	_ =	sdelay $0x1  }
0x87: {  	v3 =	vadd.s32 v1, v3  }
0x88: {  	[tilespmem:s19], [sflag:$0x1] =	stream.indirect_vreg.gather [hbm4b:s3+s2], $0x80, v4, vm0, $0xb8;
	[tilespmem:$0x6080] =	vst v63  }
0x89: {  	_ = 	snop  }
0x8a: {  	[tilespmem:s20], [sflag:$0x1] =	stream.indirect_vreg.gather [hbm4b:s5+s2], $0x80, v4, vm1, $0xb8;
	[tilespmem:$0x6080] =	vst v63  }
0x8b: {  	_ = 	snop  }
0x8c: {  	[tilespmem:s21], [sflag:$0x1] =	stream.indirect_vreg.gather [hbm4b:s3+s2], $0x80, v3, vm0, $0xb8;
	[tilespmem:$0x6080] =	vst v63  }
0x8d: {  	_ = 	snop  }
0x8e: {  	[tilespmem:s22], [sflag:$0x1] =	stream.indirect_vreg.gather [hbm4b:s5+s2], $0x80, v3, vm1, $0xb8;
	[tilespmem:$0x6080] =	vst v63  }
0x8f: {  	v3 =	vld [tilespmem:$0x30];
	_ =	sdelay $0x4  }
0x90: {  	v63 =	vshrl.u32 v3, $0x3  }
0x91: {  	v4 =	vmul.u32 $0x18, v63  }
0x92: {  	v3 =	vand.u32 $0x7, v3  }
0x93: {  	v3 =	vor.u32 v3, v4  }
0x94: {  	v4 =	vperm.xlane v3, v0;
	_ =	sdelay $0x1  }
0x95: {  	v4 =	vadd.s32 v1, v4;
	_ =	sdelay $0x1  }
0x96: {  	v3 =	vperm.xlane v3, v2;
	_ =	sdelay $0x1  }
0x97: {  	v3 =	vadd.s32 v1, v3  }
0x98: {  	[tilespmem:s23], [sflag:$0x1] =	stream.indirect_vreg.gather [hbm4b:s3+s2], $0x80, v4, vm0, $0xb8;
	[tilespmem:$0x6080] =	vst v63  }
0x99: {  	_ = 	snop  }
0x9a: {  	[tilespmem:s24], [sflag:$0x1] =	stream.indirect_vreg.gather [hbm4b:s5+s2], $0x80, v4, vm1, $0xb8;
	[tilespmem:$0x6080] =	vst v63  }
0x9b: {  	_ = 	snop  }
0x9c: {  	[tilespmem:s25], [sflag:$0x1] =	stream.indirect_vreg.gather [hbm4b:s3+s2], $0x80, v3, vm0, $0xb8;
	[tilespmem:$0x6080] =	vst v63  }
0x9d: {  	_ = 	snop  }
0x9e: {  	[tilespmem:s26], [sflag:$0x1] =	stream.indirect_vreg.gather [hbm4b:s5+s2], $0x80, v3, vm1, $0xb8;
	[tilespmem:$0x6080] =	vst v63  }
0x9f: {  	_ =	swait.ge [sflag:s28], $0x6000  }
0xa0: {  	p0 =	sne.s32 s9, $0x1;
	[sflag:s28] =	ssyncset.done $0x0  }
.Ltmp0:
0xa1: {  	[sflag:s28] =	ssyncadd.s32 $0xFFFFA000;
	(pc) =	sbr.rel @p0 .LBB2_1-.Ltmp0, $4  }
0xa2: {  	[hbm4b:s8+s2] =	stream.linear.scatter [tilespmem:s11], [sflag:$0x2], $0x6000, $0x38;
	[tilespmem:$0x6080] =	vst v63  }
0xa3: {  	_ =	swait.ge [sflag:s10], $0x6000  }
0xa4: {  	[sflag:s10] =	ssyncset.done $0x0  }
0xa5: {  	s9 =	sadd.s32 $0xFFFFFFFF, s9;
	[sflag:s10] =	ssyncadd.s32 $0xFFFFA000  }
0xa6: {  	_ =	sfence.sel $0x180000  }
0xa7: {  	[bflag:$0x0] =	sbarrier.arrive $0xFFFF  }
0xa8: {  	p0 =	sne.s32 s0, $0x0;
	_ =	strace $0x9000004A  }
0xa9: {  	s0 =	sadd.s32 @!p0 $0x100000, s1;
	[bflag:$0x2] =	sbarrier.arrive $0xFFFF  }
0xaa: {  	[sflag:s0] =	ssyncadd.tile.s32 @!p0 $0x1;
	_ =	shalt  }
.Lfunc_end2:
_tile_overlayer_lowered:
.L_overlay_start_2:
0xab: {  	(tag) =	ssettag $0x2  }
0xac: {  	s0 =	rddreg [dreg:$0x0];
	s2 =	stileid.u32  }
0xad: {  	s1 =	rddreg [dreg:$0x1];
	p0 =	sne.s32 s2, $0x0  }
0xae: {  	s3 =	rddreg [dreg:$0x2];
	[bflag:$0x3] =	sbarrier.arrive $0xFFFF;
	s2 =	simm.s32 @!p0 $0x1C02  }
0xaf: {  	[timem:s3], [sflag:s2] =	dma.local @!p0 [hbm:s0], s1  }
0xb0: {  	s0 =	simm.s32 @!p0 $0x2  }
0xb1: {  	_ =	swait.ge @!p0 [sflag:s0], s1  }
0xb2: {  	s1 =	ssub.s32 @!p0 $0x0, s1;
	[sflag:s0] =	ssyncset.done @!p0 $0x0  }
0xb3: {  	[sflag:s0] =	ssyncadd.s32 @!p0 s1  }
0xb4: {  	[bflag:$0x3] =	sbarrier.arrive $0xFFFF  }
0xb5: {  	_ =	shalt  }

// kernel: kernel.7.cloned.1.call-start
scs
__scs_entry_jumppad:
0x0: {  	(pc) =	sbr.rel $0x88, $3  }
0x1: {  	(tag) =	ssettag $0x0;
	lr =	simm.s32 $0x1  }
0x2: {  	[smem:$0x3F9C] =	sst lr;
	_ =	strace $0xD0000000  }
0x3: {  	_ = 	snop  }
0x4: {  	_ = 	snop  }
0x5: {  	_ = 	snop  }
0x6: {  	_ = 	snop  }
0x7: {  	_ = 	snop  }
__scs_overlays_trampoline_lowered:
0x8: {  	[smem:$0x3FAB] =	sst s0  }
0x9: {  	[smem:$0x3FAC] =	sst s1  }
0xa: {  	[smem:$0x3FAD] =	sst s2  }
0xb: {  	[smem:$0x3FAE] =	sst s3  }
0xc: {  	[smem:$0x3FAF] =	sst s4  }
0xd: {  	[smem:$0x3FB0] =	sst s5  }
0xe: {  	[smem:$0x3FB1] =	sst s6  }
0xf: {  	[smem:$0x3FB2] =	sst s7  }
0x10: {  	[smem:$0x3FB3] =	sst s8  }
0x11: {  	[smem:$0x3FB4] =	sst s9;
	s0 =	simm.s32 @!p0 $0x0  }
0x12: {  	s1 =	sld [smem:$0x3F9A];
	s0 =	simm.s32 @p0 $0x1  }
0x13: {  	[smem:$0x3FB5] =	sst s0;
	s0 =	simm.s32 @!p1 $0x0  }
0x14: {  	s2 =	sld [smem:$0x3F99];
	s0 =	simm.s32 @p1 $0x1  }
0x15: {  	[smem:$0x3FB6] =	sst s0;
	s0 =	simm.s32 @!p2 $0x0  }
0x16: {  	s3 =	sld [smem:$0x3FDB];
	s0 =	simm.s32 @p2 $0x1  }
0x17: {  	s4 =	simm.s32 $0x1BF5;
	[smem:$0x3FB8] =	sst s0  }
0x18: {  	s0 =	sld [smem:$0x3F9B];
	_ =	swait.ge [sflag:s4], $0x0  }
0x19: {  	s7 =	sld [smem:$0x3F9C]  }
0x1a: {  	s8 =	sadd.s32 $0xFFFFE003, lr  }
0x1b: {  	s9 =	sadd.s32 $0xFFFFFEF7, lr;
	s5 =	simm.s32 $0xFFFFFFFF;
	p2 =	slt.u32 s8, $0xFFFFF086  }
0x1c: {  	p1 =	slt.u32 s9, $0xF7A;
	s5 =	simm.s32 @!p2 $0x0  }
0x1d: {  	s5 =	simm.s32 @p1 $0x1;
	p0 =	seq.s32 s7, s2  }
0x1e: {  	s7 =	smul.u32 @!p0 $0xF7A, s2;
	p2 =	seq.s32 @!p0 s5, $0x0  }
0x1f: {  	s9 =	smul.u32 $0xF7A, s1;
	s8 =	simm.s32 @!p0 $0x1BF5;
	p2 =	por !p2, p0  }
0x20: {  	[sflag:s8] =	ssyncset.s32 @!p0 $0xFFFFF086;
	s6 =	sadd.s32 @!p0 s3, s7;
	s7 =	simm.s32 @!p0 $0x108  }
0x21: {  	s3 =	sadd.s32 s3, s9;
	s6 =	sadd.s32 @!p0 $0x88, s6;
	s7 =	simm.s32 @p2 $0x1082  }
0x22: {  	[simem:s7], [sflag:s8] =	dma.local @!p0 [hbm:s6], $0xF7A  }
0x23: {  	s9 =	sor.u32 $0xD0000000, s2;
	s6 =	simm.s32 $0x108;
	_ =	swait.ge @!p0 [sflag:s8], $0x0  }
0x24: {  	s3 =	sadd.s32 $0x88, s3;
	s6 =	simm.s32 @!p1 $0x1082;
	[sflag:s4] =	ssyncset.s32 $0xFFFFF086  }
0x25: {  	[simem:s6], [sflag:s4] =	dma.local [hbm:s3], $0xF7A  }
0x26: {  	[smem:$0x3F9C] =	sst s1;
	(tag) =	ssettag s2;
	_ =	strace s9  }
0x27: {  	s1 =	sld [smem:$0x3FAC]  }
0x28: {  	s2 =	sld [smem:$0x3FAD]  }
0x29: {  	s4 =	sld [smem:$0x3FAF]  }
0x2a: {  	p0 =	seq.s32 s5, $0x0;
	s5 =	sld [smem:$0x3FB0]  }
0x2b: {  	s6 =	sld [smem:$0x3FB1]  }
0x2c: {  	s7 =	sld [smem:$0x3FB2]  }
0x2d: {  	s3 =	simm.s32 $0x108;
	s8 =	sld [smem:$0x3FB3]  }
0x2e: {  	s3 =	simm.s32 @!p0 $0x1082;
	s9 =	sld [smem:$0x3FB4]  }
0x2f: {  	lr =	sadd.s32 s0, s3;
	s0 =	sld [smem:$0x3FAB]  }
0x30: {  	s3 =	sld [smem:$0x3FAE]  }
0x31: {  	[smem:$0x3FB7] =	sst s10  }
0x32: {  	s10 =	sld [smem:$0x3FB5];
	_ =	sdelay $0x3  }
0x33: {  	p0 =	seq.s32 s10, $0x1;
	s10 =	sld [smem:$0x3FB7];
	_ =	sdelay $0x3  }
0x34: {  	[smem:$0x3FB7] =	sst s10  }
0x35: {  	s10 =	sld [smem:$0x3FB6];
	_ =	sdelay $0x3  }
0x36: {  	p1 =	seq.s32 s10, $0x1;
	s10 =	sld [smem:$0x3FB7];
	_ =	sdelay $0x3  }
0x37: {  	[smem:$0x3FB7] =	sst s10  }
0x38: {  	s10 =	sld [smem:$0x3FB8]  }
0x39: {  	_ = 	snop;
	(pc) =	sbr.ind lr, $3  }
0x3a: {  	_ = 	snop  }
0x3b: {  	_ = 	snop  }
0x3c: {  	p2 =	seq.s32 s10, $0x1;
	s10 =	sld [smem:$0x3FB7]  }
0x3d: {  	_ =	shalt  }
0x3e: {  	_ =	shalt  }
0x3f: {  	_ =	shalt  }
0x40: {  	_ =	shalt  }
0x41: {  	_ =	shalt  }
0x42: {  	_ =	shalt  }
0x43: {  	_ =	shalt  }
0x44: {  	_ =	shalt  }
0x45: {  	_ =	shalt  }
0x46: {  	_ =	shalt  }
0x47: {  	_ =	shalt  }
0x48: {  	_ =	shalt  }
0x49: {  	_ =	shalt  }
0x4a: {  	_ =	shalt  }
0x4b: {  	_ =	shalt  }
0x4c: {  	_ =	shalt  }
0x4d: {  	_ =	shalt  }
0x4e: {  	_ =	shalt  }
0x4f: {  	_ =	shalt  }
0x50: {  	_ =	shalt  }
0x51: {  	_ =	shalt  }
0x52: {  	_ =	shalt  }
0x53: {  	_ =	shalt  }
0x54: {  	_ =	shalt  }
0x55: {  	_ =	shalt  }
0x56: {  	_ =	shalt  }
0x57: {  	_ =	shalt  }
0x58: {  	_ =	shalt  }
0x59: {  	_ =	shalt  }
0x5a: {  	_ =	shalt  }
0x5b: {  	_ =	shalt  }
0x5c: {  	_ =	shalt  }
0x5d: {  	_ =	shalt  }
0x5e: {  	_ =	shalt  }
0x5f: {  	_ =	shalt  }
0x60: {  	_ =	shalt  }
0x61: {  	_ =	shalt  }
0x62: {  	_ =	shalt  }
0x63: {  	_ =	shalt  }
0x64: {  	_ =	shalt  }
0x65: {  	_ =	shalt  }
0x66: {  	_ =	shalt  }
0x67: {  	_ =	shalt  }
0x68: {  	_ =	shalt  }
0x69: {  	_ =	shalt  }
0x6a: {  	_ =	shalt  }
0x6b: {  	_ =	shalt  }
0x6c: {  	_ =	shalt  }
0x6d: {  	_ =	shalt  }
0x6e: {  	_ =	shalt  }
0x6f: {  	_ =	shalt  }
0x70: {  	_ =	shalt  }
0x71: {  	_ =	shalt  }
0x72: {  	_ =	shalt  }
0x73: {  	_ =	shalt  }
0x74: {  	_ =	shalt  }
0x75: {  	_ =	shalt  }
0x76: {  	_ =	shalt  }
0x77: {  	_ =	shalt  }
0x78: {  	_ =	shalt  }
0x79: {  	_ =	shalt  }
0x7a: {  	_ =	shalt  }
0x7b: {  	_ =	shalt  }
0x7c: {  	_ =	shalt  }
0x7d: {  	_ =	shalt  }
0x7e: {  	_ =	shalt  }
0x7f: {  	_ =	shalt  }
0x80: {  	_ =	shalt  }
0x81: {  	_ =	shalt  }
0x82: {  	_ =	shalt  }
0x83: {  	_ =	shalt  }
0x84: {  	_ =	shalt  }
0x85: {  	_ =	shalt  }
0x86: {  	_ =	shalt  }
0x87: {  	_ =	shalt  }
.Lfunc_end0:
.L_simem_size_0:
called_computation_lowered:
.L_overlay_start_0:
0x88: {  	s2 =	sld [smem:$0x3FD9]  }
0x89: {  	s3 =	sld [smem:$0x3FFE];
	_ =	sdelay $0x1  }
0x8a: {  	s1 =	srdreg.scid  }
0x8b: {  	s0 =	sand.u32 $0x1, s1  }
0x8c: {  	s14 =	sshll.u32 s0, $0xA;
	s2 =	sadd.s32 s3, s2  }
0x8d: {  	s2 =	sadd.s32 s2, s14  }
0x8e: {  	[smem:$0x3FC3] =	sst s2  }
0x8f: {  	_ = 	snop  }
0x90: {  	s2 =	sld [smem:$0x3FD0];
	_ =	sdelay $0x2  }
0x91: {  	s15 =	simm.s32 $0xA;
	s4 =	simm.s32 $0x10  }
0x92: {  	[smem:s4], [sflag:s15] =	dma.local [hbm:s2], $0x1  }
0x93: {  	_ =	swait.eq [sflag:s15], $0x1  }
0x94: {  	[sflag:s15] =	ssyncset.done $0x0  }
0x95: {  	[sflag:s15] =	ssyncadd.s32 $0xFFFFFFFF  }
0x96: {  	s16 =	sld [smem:$0x10];
	(tm) =	ssettm $0x1  }
0x97: {  	s17 =	sld [smem:$0x3FFB];
	_ =	sdelay $0x3  }
0x98: {  	_ =	strace s17  }
0x99: {  	s3 =	sld [smem:$0x3FFC];
	_ =	sdelay $0x3  }
0x9a: {  	_ =	strace s3  }
0x9b: {  	s3 =	sld [smem:$0x3FFD];
	_ =	sdelay $0x3  }
0x9c: {  	_ =	strace s3  }
0x9d: {  	_ =	strace $0x8FFFFFFF  }
0x9e: {  	s18 =	sld [smem:$0x3FDB];
	_ =	sdelay $0x1  }
0x9f: {  	s19 =	simm.s32 $_scs_section_size  }
0xa0: {  	s5 =	simm.s32 $_size__tile_overlayer_lowered;
	s6 =	simm.s32 $_tile_overlayer_lowered  }
0xa1: {  	s22 =	simm.s32 $0x1BFF;
	s21 =	sshll.u32 s6, $0x1;
	s3 =	sadd.s32 s19, s18  }
0xa2: {  	s7 =	simm.s32 $0x0;
	s20 =	sshll.u32 s5, $0x1;
	s5 =	sadd.s32 s21, s3  }
0xa3: {  	[timem:s7], [sflag:s22] =	dma.local [hbm:s5], s20  }
0xa4: {  	_ =	swait.ge [sflag:s22], s20  }
0xa5: {  	s4 =	ssub.s32 $0x0, s20;
	[sflag:s22] =	ssyncset.done $0x0  }
0xa6: {  	[sflag:s22] =	ssyncadd.s32 s4;
	_ =	sdelay $0x1  }
0xa7: {  	s23 =	simm.s32 $0x1B8B  }
0xa8: {  	_ =	swait.ge [sflag:s23], $0x1  }
0xa9: {  	[sflag:s23] =	ssyncset.done $0x0  }
0xaa: {  	s25 =	simm.s32 $0x1B8E;
	s24 =	sld [smem:$0x3FFE];
	[sflag:s23] =	ssyncadd.s32 $0xFFFFFFFF  }
0xab: {  	s26 =	simm.s32 $execute0_lowered;
	[smem:$0x3FD2] =	sst s25  }
0xac: {  	s5 =	sshll.u32 s26, $0x1;
	_ =	strace $0x80000046;
	[dreg:$0x1] =	wrdreg $0xFFFFFFFF  }
0xad: {  	s28 =	simm.s32 $_size_execute0_lowered;
	s3 =	sadd.s32 s3, s5;
	[dreg:$0x0] =	wrdreg $0x0  }
0xae: {  	s5 =	sshll.u32 s28, $0x1;
	[dreg:$0x2] =	wrdreg s3  }
0xaf: {  	[dreg:$0x3] =	wrdreg s5  }
0xb0: {  	[dreg:$0x4] =	wrdreg $0xC0  }
0xb1: {  	_ =	task [dreg:s7], $0x5FFFF  }
0xb2: {  	[dreg:$0x1] =	wrdreg $0xFFFFFFFF  }
0xb3: {  	[dreg:$0x0] =	wrdreg $0x60  }
0xb4: {  	[dreg:$0x2] =	wrdreg s16  }
0xb5: {  	[dreg:$0x3] =	wrdreg s24  }
0xb6: {  	[dreg:$0x4] =	wrdreg $0x9  }
0xb7: {  	_ =	task.clear_ibuf [dreg:s7], $0x5FFFF;
	_ =	strace $0x90000046  }
0xb8: {  	s29 =	simm.s32 $0x9;
	_ =	strace $0x80000048  }
0xb9: {  	_ =	swait.ge [sflag:s29], $0x1  }
0xba: {  	[sflag:s29] =	ssyncadd.s32 $0xFFFFFFFF  }
0xbb: {  	_ =	strace $0x90000048  }
0xbc: {  	_ =	sfence  }
0xbd: {  	s30 =	sld [smem:$0x0];
	_ =	sdelay $0x2  }
0xbe: {  	s31 =	sshll.u32 s1, $0xD;
	s1 =	sshrl.u32 s1, $0x2  }
0xbf: {  	s3 =	sand.u32 $0x4000, s31;
	s1 =	sadd.s32 s1, s30  }
0xc0: {  	s0 =	sor.u32 s3, s0;
	s1 =	sshll.u32 s1, $0x11  }
0xc1: {  	s0 =	sor.u32 s1, s0  }
0xc2: {  	s0 =	sadd.s32 $0x8F2B, s0  }
0xc3: {  	[sflag:s0] =	ssyncadd.remote.s32 $0x1  }
0xc4: {  	_ =	sfence.sel $0xFFFF  }
0xc5: {  	[dreg:$0x0] =	wrdreg $0xFFFFFFFF;
	(pc) =	sbr.abs _section_cstart, $3  }
0xc6: {  	[dreg:$0x1] =	wrdreg $0xFFFFFFFF  }
0xc7: {  	_ =	task.clear_ibuf [dreg:s7], $0x2FFFF;
	_ =	strace $0x9FFFFFFF  }
0xc8: {  	(tm) =	ssettm $0x7FFFFFFF  }
0xc9: {  	_ =	shalt  }
tec
execute0_lowered:
.L_overlay_start_1:
0x0: {  	(tag) =	ssettag $0x1  }
0x1: {  	s4 =	rddreg [dreg:$0x0]  }
0x2: {  	s6 =	rddreg [dreg:$0x1];
	s2 =	srdreg.scid  }
0x3: {  	s0 =	rddreg [dreg:$0x2];
	s1 =	stileid.u32  }
0x4: {  	s11 =	simm.s32 $0x880;
	s12 =	simm.s32 $0xC80;
	s13 =	simm.s32 $0x1480  }
0x5: {  	s14 =	simm.s32 $0x1880;
	s15 =	simm.s32 $0x2080;
	s16 =	simm.s32 $0x2480  }
0x6: {  	s17 =	simm.s32 $0x2C80;
	s18 =	simm.s32 $0x3080;
	s19 =	simm.s32 $0x3880  }
0x7: {  	s20 =	simm.s32 $0x3C80;
	s21 =	simm.s32 $0x4480;
	s22 =	simm.s32 $0x4880  }
0x8: {  	s23 =	simm.s32 $0x5080;
	s24 =	simm.s32 $0x5480;
	s25 =	simm.s32 $0x5C80  }
0x9: {  	s26 =	simm.s32 $0x1;
	s3 =	sand.u32 $0x1, s2;
	s2 =	simm.s32 $0x0  }
0xa: {  	s5 =	sshll.u32 s1, $0x4;
	s7 =	sshll.u32 s3, $0x3;
	[smem:$0x7FF] =	sst s2  }
0xb: {  	s30 =	ssub.s32 $0x2, s3;
	s3 =	sadd.s32 $0x2400, s6;
	s5 =	sor.u32 s7, s5  }
0xc: {  	_ =	strace $0x80000047;
	s31 =	sshrl.u32 s30, $0x1;
	s8 =	smul.u32 $0x180, s5  }
0xd: {  	v2 =	vlaneseq.u32;
	s9 =	sadd.s32 s5, s6;
	s10 =	ssub.s32 s30, s31;
	s6 =	sadd.s32 $0x2500, s6  }
0xe: {  	vm0 =	vmmov $0xffff;
	vm1 =	vmmov $0xff;
	v1 =	vshrl.u32 v2, $0x3;
	s5 =	sadd.s32 $0x2000, s9;
	s7 =	sadd.s32 $0x2200, s9;
	s9 =	simm.s32 $0x80  }
0xf: {  	v0 =	vand.u32 $0x7, v2;
	v2 =	vor.u32 $0x8, v2;
	v1 =	vmul.u32 $0x8, v1;
	s4 =	sadd.s32 s4, s8;
	s8 =	smax.u32 s10, $0x1;
	s10 =	simm.s32 $0x2  }
.LBB2_1:
0x10: {  	[tilespmem:s9], [sflag:$0x2] =	stream.linear.gather [hbm4b:s4+s2], $0x6000, $0x38;
	[tilespmem:$0x6080] =	vst v63  }
0x11: {  	_ =	swait.ge [sflag:s10], $0x6000  }
0x12: {  	[sflag:s10] =	ssyncset.done $0x0  }
0x13: {  	[sflag:s10] =	ssyncadd.s32 $0xFFFFA000  }
0x14: {  	[tilespmem:s2], [sflag:$0x2] =	stream.linear.gather [hbm4b:s5+s2], $0x40, $0x38;
	[tilespmem:$0x6080] =	vst v63  }
0x15: {  	_ =	swait.ge [sflag:s10], $0x40  }
0x16: {  	[sflag:s10] =	ssyncset.done $0x0  }
0x17: {  	[sflag:s10] =	ssyncadd.s32 $0xFFFFFFC0  }
0x18: {  	v3 =	vld [tilespmem:$0x0];
	_ =	sdelay $0x4  }
0x19: {  	v4 =	vshrl.u32 v3, $0x3  }
0x1a: {  	v4 =	vmul.u32 $0x18, v4  }
0x1b: {  	v3 =	vand.u32 $0x7, v3  }
0x1c: {  	v3 =	vor.u32 v3, v4  }
0x1d: {  	v4 =	vperm.xlane v3, v0;
	_ =	sdelay $0x1  }
0x1e: {  	v4 =	vadd.s32 v1, v4;
	_ =	sdelay $0x1  }
0x1f: {  	v3 =	vperm.xlane v3, v2;
	_ =	sdelay $0x1  }
0x20: {  	v3 =	vadd.s32 v1, v3  }
0x21: {  	[hbm4b:s3+s2] =	stream.indirect_vreg.scatter [tilespmem:s9], [sflag:$0x1], $0x80, v4, vm0, $0xb8;
	[tilespmem:$0x6080] =	vst v63  }
0x22: {  	_ = 	snop  }
0x23: {  	[hbm4b:s6+s2] =	stream.indirect_vreg.scatter [tilespmem:s11], [sflag:$0x1], $0x80, v4, vm1, $0xb8;
	[tilespmem:$0x6080] =	vst v63  }
0x24: {  	_ = 	snop  }
0x25: {  	[hbm4b:s3+s2] =	stream.indirect_vreg.scatter [tilespmem:s12], [sflag:$0x1], $0x80, v3, vm0, $0xb8;
	[tilespmem:$0x6080] =	vst v63  }
0x26: {  	_ = 	snop  }
0x27: {  	[hbm4b:s6+s2] =	stream.indirect_vreg.scatter [tilespmem:s13], [sflag:$0x1], $0x80, v3, vm1, $0xb8;
	[tilespmem:$0x6080] =	vst v63  }
0x28: {  	v3 =	vld [tilespmem:$0x10];
	_ =	sdelay $0x4  }
0x29: {  	v57 =	vshrl.u32 v3, $0x3  }
0x2a: {  	v4 =	vmul.u32 $0x18, v57  }
0x2b: {  	v3 =	vand.u32 $0x7, v3  }
0x2c: {  	v3 =	vor.u32 v3, v4  }
0x2d: {  	v4 =	vperm.xlane v3, v0;
	_ =	sdelay $0x1  }
0x2e: {  	v4 =	vadd.s32 v1, v4;
	_ =	sdelay $0x1  }
0x2f: {  	v3 =	vperm.xlane v3, v2;
	_ =	sdelay $0x1  }
0x30: {  	v3 =	vadd.s32 v1, v3  }
0x31: {  	[hbm4b:s3+s2] =	stream.indirect_vreg.scatter [tilespmem:s14], [sflag:$0x1], $0x80, v4, vm0, $0xb8;
	[tilespmem:$0x6080] =	vst v63  }
0x32: {  	_ = 	snop  }
0x33: {  	[hbm4b:s6+s2] =	stream.indirect_vreg.scatter [tilespmem:s15], [sflag:$0x1], $0x80, v4, vm1, $0xb8;
	[tilespmem:$0x6080] =	vst v63  }
0x34: {  	_ = 	snop  }
0x35: {  	[hbm4b:s3+s2] =	stream.indirect_vreg.scatter [tilespmem:s16], [sflag:$0x1], $0x80, v3, vm0, $0xb8;
	[tilespmem:$0x6080] =	vst v63  }
0x36: {  	_ = 	snop  }
0x37: {  	[hbm4b:s6+s2] =	stream.indirect_vreg.scatter [tilespmem:s17], [sflag:$0x1], $0x80, v3, vm1, $0xb8;
	[tilespmem:$0x6080] =	vst v63  }
0x38: {  	v3 =	vld [tilespmem:$0x20];
	_ =	sdelay $0x4  }
0x39: {  	v58 =	vshrl.u32 v3, $0x3  }
0x3a: {  	v4 =	vmul.u32 $0x18, v58  }
0x3b: {  	v3 =	vand.u32 $0x7, v3  }
0x3c: {  	v3 =	vor.u32 v3, v4  }
0x3d: {  	v4 =	vperm.xlane v3, v0;
	_ =	sdelay $0x1  }
0x3e: {  	v4 =	vadd.s32 v1, v4;
	_ =	sdelay $0x1  }
0x3f: {  	v3 =	vperm.xlane v3, v2;
	_ =	sdelay $0x1  }
0x40: {  	v3 =	vadd.s32 v1, v3  }
0x41: {  	[hbm4b:s3+s2] =	stream.indirect_vreg.scatter [tilespmem:s18], [sflag:$0x1], $0x80, v4, vm0, $0xb8;
	[tilespmem:$0x6080] =	vst v63  }
0x42: {  	_ = 	snop  }
0x43: {  	[hbm4b:s6+s2] =	stream.indirect_vreg.scatter [tilespmem:s19], [sflag:$0x1], $0x80, v4, vm1, $0xb8;
	[tilespmem:$0x6080] =	vst v63  }
0x44: {  	_ = 	snop  }
0x45: {  	[hbm4b:s3+s2] =	stream.indirect_vreg.scatter [tilespmem:s20], [sflag:$0x1], $0x80, v3, vm0, $0xb8;
	[tilespmem:$0x6080] =	vst v63  }
0x46: {  	_ = 	snop  }
0x47: {  	[hbm4b:s6+s2] =	stream.indirect_vreg.scatter [tilespmem:s21], [sflag:$0x1], $0x80, v3, vm1, $0xb8;
	[tilespmem:$0x6080] =	vst v63  }
0x48: {  	v3 =	vld [tilespmem:$0x30];
	_ =	sdelay $0x4  }
0x49: {  	v59 =	vshrl.u32 v3, $0x3  }
0x4a: {  	v4 =	vmul.u32 $0x18, v59  }
0x4b: {  	v3 =	vand.u32 $0x7, v3  }
0x4c: {  	v3 =	vor.u32 v3, v4  }
0x4d: {  	v4 =	vperm.xlane v3, v0;
	_ =	sdelay $0x1  }
0x4e: {  	v4 =	vadd.s32 v1, v4;
	_ =	sdelay $0x1  }
0x4f: {  	v3 =	vperm.xlane v3, v2;
	_ =	sdelay $0x1  }
0x50: {  	v3 =	vadd.s32 v1, v3  }
0x51: {  	[hbm4b:s3+s2] =	stream.indirect_vreg.scatter [tilespmem:s22], [sflag:$0x1], $0x80, v4, vm0, $0xb8;
	[tilespmem:$0x6080] =	vst v63  }
0x52: {  	_ = 	snop  }
0x53: {  	[hbm4b:s6+s2] =	stream.indirect_vreg.scatter [tilespmem:s23], [sflag:$0x1], $0x80, v4, vm1, $0xb8;
	[tilespmem:$0x6080] =	vst v63  }
0x54: {  	_ = 	snop  }
0x55: {  	[hbm4b:s3+s2] =	stream.indirect_vreg.scatter [tilespmem:s24], [sflag:$0x1], $0x80, v3, vm0, $0xb8;
	[tilespmem:$0x6080] =	vst v63  }
0x56: {  	_ = 	snop  }
0x57: {  	[hbm4b:s6+s2] =	stream.indirect_vreg.scatter [tilespmem:s25], [sflag:$0x1], $0x80, v3, vm1, $0xb8;
	[tilespmem:$0x6080] =	vst v63  }
0x58: {  	_ =	swait.ge [sflag:s26], $0x6000  }
0x59: {  	[sflag:s26] =	ssyncset.done $0x0  }
0x5a: {  	[sflag:s26] =	ssyncadd.s32 $0xFFFFA000  }
0x5b: {  	[tilespmem:s2], [sflag:$0x2] =	stream.linear.gather [hbm4b:s7+s2], $0x40, $0x38;
	[tilespmem:$0x6080] =	vst v63  }
0x5c: {  	_ =	swait.ge [sflag:s10], $0x40  }
0x5d: {  	[sflag:s10] =	ssyncset.done $0x0  }
0x5e: {  	[sflag:s10] =	ssyncadd.s32 $0xFFFFFFC0  }
0x5f: {  	v3 =	vld [tilespmem:$0x0];
	_ =	sdelay $0x4  }
0x60: {  	v60 =	vshrl.u32 v3, $0x3  }
0x61: {  	v4 =	vmul.u32 $0x18, v60  }
0x62: {  	v3 =	vand.u32 $0x7, v3  }
0x63: {  	v3 =	vor.u32 v3, v4  }
0x64: {  	v4 =	vperm.xlane v3, v0;
	_ =	sdelay $0x1  }
0x65: {  	v4 =	vadd.s32 v1, v4;
	_ =	sdelay $0x1  }
0x66: {  	v3 =	vperm.xlane v3, v2;
	_ =	sdelay $0x1  }
0x67: {  	v3 =	vadd.s32 v1, v3  }
0x68: {  	[hbm4b:s3+s2] =	stream.indirect_vreg.scatter [tilespmem:s9], [sflag:$0x1], $0x80, v4, vm0, $0xb8;
	[tilespmem:$0x6080] =	vst v63  }
0x69: {  	_ = 	snop  }
0x6a: {  	[hbm4b:s6+s2] =	stream.indirect_vreg.scatter [tilespmem:s11], [sflag:$0x1], $0x80, v4, vm1, $0xb8;
	[tilespmem:$0x6080] =	vst v63  }
0x6b: {  	_ = 	snop  }
0x6c: {  	[hbm4b:s3+s2] =	stream.indirect_vreg.scatter [tilespmem:s12], [sflag:$0x1], $0x80, v3, vm0, $0xb8;
	[tilespmem:$0x6080] =	vst v63  }
0x6d: {  	_ = 	snop  }
0x6e: {  	[hbm4b:s6+s2] =	stream.indirect_vreg.scatter [tilespmem:s13], [sflag:$0x1], $0x80, v3, vm1, $0xb8;
	[tilespmem:$0x6080] =	vst v63  }
0x6f: {  	v3 =	vld [tilespmem:$0x10];
	_ =	sdelay $0x4  }
0x70: {  	v61 =	vshrl.u32 v3, $0x3  }
0x71: {  	v4 =	vmul.u32 $0x18, v61  }
0x72: {  	v3 =	vand.u32 $0x7, v3  }
0x73: {  	v3 =	vor.u32 v3, v4  }
0x74: {  	v4 =	vperm.xlane v3, v0;
	_ =	sdelay $0x1  }
0x75: {  	v4 =	vadd.s32 v1, v4;
	_ =	sdelay $0x1  }
0x76: {  	v3 =	vperm.xlane v3, v2;
	_ =	sdelay $0x1  }
0x77: {  	v3 =	vadd.s32 v1, v3  }
0x78: {  	[hbm4b:s3+s2] =	stream.indirect_vreg.scatter [tilespmem:s14], [sflag:$0x1], $0x80, v4, vm0, $0xb8;
	[tilespmem:$0x6080] =	vst v63  }
0x79: {  	_ = 	snop  }
0x7a: {  	[hbm4b:s6+s2] =	stream.indirect_vreg.scatter [tilespmem:s15], [sflag:$0x1], $0x80, v4, vm1, $0xb8;
	[tilespmem:$0x6080] =	vst v63  }
0x7b: {  	_ = 	snop  }
0x7c: {  	[hbm4b:s3+s2] =	stream.indirect_vreg.scatter [tilespmem:s16], [sflag:$0x1], $0x80, v3, vm0, $0xb8;
	[tilespmem:$0x6080] =	vst v63  }
0x7d: {  	_ = 	snop  }
0x7e: {  	[hbm4b:s6+s2] =	stream.indirect_vreg.scatter [tilespmem:s17], [sflag:$0x1], $0x80, v3, vm1, $0xb8;
	[tilespmem:$0x6080] =	vst v63  }
0x7f: {  	v3 =	vld [tilespmem:$0x20];
	_ =	sdelay $0x4  }
0x80: {  	v62 =	vshrl.u32 v3, $0x3  }
0x81: {  	v4 =	vmul.u32 $0x18, v62  }
0x82: {  	v3 =	vand.u32 $0x7, v3  }
0x83: {  	v3 =	vor.u32 v3, v4  }
0x84: {  	v4 =	vperm.xlane v3, v0;
	_ =	sdelay $0x1  }
0x85: {  	v4 =	vadd.s32 v1, v4;
	_ =	sdelay $0x1  }
0x86: {  	v3 =	vperm.xlane v3, v2;
	_ =	sdelay $0x1  }
0x87: {  	v3 =	vadd.s32 v1, v3  }
0x88: {  	[hbm4b:s3+s2] =	stream.indirect_vreg.scatter [tilespmem:s18], [sflag:$0x1], $0x80, v4, vm0, $0xb8;
	[tilespmem:$0x6080] =	vst v63  }
0x89: {  	_ = 	snop  }
0x8a: {  	[hbm4b:s6+s2] =	stream.indirect_vreg.scatter [tilespmem:s19], [sflag:$0x1], $0x80, v4, vm1, $0xb8;
	[tilespmem:$0x6080] =	vst v63  }
0x8b: {  	_ = 	snop  }
0x8c: {  	[hbm4b:s3+s2] =	stream.indirect_vreg.scatter [tilespmem:s20], [sflag:$0x1], $0x80, v3, vm0, $0xb8;
	[tilespmem:$0x6080] =	vst v63  }
0x8d: {  	_ = 	snop  }
0x8e: {  	[hbm4b:s6+s2] =	stream.indirect_vreg.scatter [tilespmem:s21], [sflag:$0x1], $0x80, v3, vm1, $0xb8;
	[tilespmem:$0x6080] =	vst v63  }
0x8f: {  	v3 =	vld [tilespmem:$0x30];
	_ =	sdelay $0x4  }
0x90: {  	v63 =	vshrl.u32 v3, $0x3  }
0x91: {  	v4 =	vmul.u32 $0x18, v63  }
0x92: {  	v3 =	vand.u32 $0x7, v3  }
0x93: {  	v3 =	vor.u32 v3, v4  }
0x94: {  	v4 =	vperm.xlane v3, v0;
	_ =	sdelay $0x1  }
0x95: {  	v4 =	vadd.s32 v1, v4;
	_ =	sdelay $0x1  }
0x96: {  	v3 =	vperm.xlane v3, v2;
	_ =	sdelay $0x1  }
0x97: {  	v3 =	vadd.s32 v1, v3  }
0x98: {  	[hbm4b:s3+s2] =	stream.indirect_vreg.scatter [tilespmem:s22], [sflag:$0x1], $0x80, v4, vm0, $0xb8;
	[tilespmem:$0x6080] =	vst v63  }
0x99: {  	_ = 	snop  }
0x9a: {  	[hbm4b:s6+s2] =	stream.indirect_vreg.scatter [tilespmem:s23], [sflag:$0x1], $0x80, v4, vm1, $0xb8;
	[tilespmem:$0x6080] =	vst v63  }
0x9b: {  	p0 =	sne.s32 s8, $0x1  }
0x9c: {  	[hbm4b:s3+s2] =	stream.indirect_vreg.scatter [tilespmem:s24], [sflag:$0x1], $0x80, v3, vm0, $0xb8;
	[tilespmem:$0x6080] =	vst v63  }
.Ltmp0:
0x9d: {  	_ = 	snop;
	(pc) =	sbr.rel @p0 .LBB2_1-.Ltmp0, $4  }
0x9e: {  	[hbm4b:s6+s2] =	stream.indirect_vreg.scatter [tilespmem:s25], [sflag:$0x1], $0x80, v3, vm1, $0xb8;
	[tilespmem:$0x6080] =	vst v63  }
0x9f: {  	_ =	swait.ge [sflag:s26], $0x6000  }
0xa0: {  	[sflag:s26] =	ssyncset.done $0x0  }
0xa1: {  	s8 =	sadd.s32 $0xFFFFFFFF, s8;
	[sflag:s26] =	ssyncadd.s32 $0xFFFFA000  }
0xa2: {  	_ =	sfence.sel $0x180000  }
0xa3: {  	[bflag:$0x0] =	sbarrier.arrive $0xFFFF  }
0xa4: {  	p0 =	sne.s32 s1, $0x0;
	_ =	strace $0x90000047  }
0xa5: {  	s0 =	sadd.s32 @!p0 $0x100000, s0;
	[bflag:$0x2] =	sbarrier.arrive $0xFFFF  }
0xa6: {  	[sflag:s0] =	ssyncadd.tile.s32 @!p0 $0x1;
	_ =	shalt  }
.Lfunc_end2:
_tile_overlayer_lowered:
.L_overlay_start_2:
0xa7: {  	(tag) =	ssettag $0x2  }
0xa8: {  	s0 =	rddreg [dreg:$0x0];
	s2 =	stileid.u32  }
0xa9: {  	s1 =	rddreg [dreg:$0x1];
	p0 =	sne.s32 s2, $0x0  }
0xaa: {  	s3 =	rddreg [dreg:$0x2];
	[bflag:$0x3] =	sbarrier.arrive $0xFFFF;
	s2 =	simm.s32 @!p0 $0x1C02  }
0xab: {  	[timem:s3], [sflag:s2] =	dma.local @!p0 [hbm:s0], s1  }
0xac: {  	s0 =	simm.s32 @!p0 $0x2  }
0xad: {  	_ =	swait.ge @!p0 [sflag:s0], s1  }
0xae: {  	s1 =	ssub.s32 @!p0 $0x0, s1;
	[sflag:s0] =	ssyncset.done @!p0 $0x0  }
0xaf: {  	[sflag:s0] =	ssyncadd.s32 @!p0 s1  }
0xb0: {  	[bflag:$0x3] =	sbarrier.arrive $0xFFFF  }
0xb1: {  	_ =	shalt  }

</sc_bundles>
